<compile_context>
chip_gen: v7x
topology: tpu7x:2x2x1
jax: 0.10.2.dev20260603
libtpu: 0.0.44.dev20260713+nightly
codegen_flags: <defaults>
</compile_context>

<pallas_src>
import functools

import jax
import jax.numpy as jnp
from jax import lax
from jax.experimental import pallas as pl
from jax.experimental.pallas import tpu as pltpu
from jax.experimental.pallas import tpu_sc as plsc

N = 10000
E = 320000
F = 128
H = 8
HF = H * F

NC = 2
NS = 16
L = 16

HEADS_PER_CORE = H // NC
EDGES_PER_TILE = E // NS
CHUNK = 80
NCHUNK = EDGES_PER_TILE // CHUNK
NPAD = 10240
DEN_PER_TILE = NPAD // NS
RST_PER_TILE = NPAD // NS
ZROWS = 16
SUPER = 25

BN = 400



def _phase1_body(h_ref, wfc_ref, al_ref, ar_ref,
                 feat_ref, el_ref, er_ref, elmax_ref, ermax_ref):
    hb = h_ref[...]
    feat = lax.dot_general(hb, wfc_ref[...], (((1,), (1,)), ((), ())),
                           preferred_element_type=jnp.float32)
    feat_ref[...] = feat
    el = jnp.dot(feat, al_ref[...], preferred_element_type=jnp.float32)
    er = jnp.dot(feat, ar_ref[...], preferred_element_type=jnp.float32)
    el_ref[...] = el
    er_ref[...] = er
    cur_el = jnp.broadcast_to(jnp.max(el, axis=0, keepdims=True), (8, H))
    cur_er = jnp.broadcast_to(jnp.max(er, axis=0, keepdims=True), (8, H))

    @pl.when(pl.program_id(0) == 0)
    def _():
        elmax_ref[...] = cur_el
        ermax_ref[...] = cur_er

    @pl.when(pl.program_id(0) > 0)
    def _():
        elmax_ref[...] = jnp.maximum(elmax_ref[...], cur_el)
        ermax_ref[...] = jnp.maximum(ermax_ref[...], cur_er)


def _phase1(h, W_fc, A_l, A_r):
    grid = (N // BN,)
    return pl.pallas_call(
        _phase1_body,
        grid=grid,
        in_specs=[
            pl.BlockSpec((BN, F), lambda i: (i, 0)),
            pl.BlockSpec((HF, F), lambda i: (0, 0)),
            pl.BlockSpec((HF, H), lambda i: (0, 0)),
            pl.BlockSpec((HF, H), lambda i: (0, 0)),
        ],
        out_specs=[
            pl.BlockSpec((BN, HF), lambda i: (i, 0)),
            pl.BlockSpec((BN, H), lambda i: (i, 0)),
            pl.BlockSpec((BN, H), lambda i: (i, 0)),
            pl.BlockSpec((8, H), lambda i: (0, 0)),
            pl.BlockSpec((8, H), lambda i: (0, 0)),
        ],
        out_shape=[
            jax.ShapeDtypeStruct((N, HF), jnp.float32),
            jax.ShapeDtypeStruct((N, H), jnp.float32),
            jax.ShapeDtypeStruct((N, H), jnp.float32),
            jax.ShapeDtypeStruct((8, H), jnp.float32),
            jax.ShapeDtypeStruct((8, H), jnp.float32),
        ],
    )(h, W_fc, A_l, A_r)



def _sc_body(feat_hbm, elT_hbm, erT_hbm, src_hbm, dst_hbm, m_hbm, zeros_hbm,
             rst_hbm, den_hbm,
             rst_sp,
             el_v, er_v, den_v, src_s, dst_s,
             idxf_v, dstc_v, w_v, rows_v, zero_v, m_v,
             sem):
    cid = lax.axis_index("c")
    sid = lax.axis_index("s")
    ebase = sid * EDGES_PER_TILE

    pltpu.sync_copy(m_hbm, m_v)
    pltpu.sync_copy(zeros_hbm, zero_v)

    def head_body(hh, carry):
        head = cid * HEADS_PER_CORE + hh

        def zden(i, c):
            den_v[pl.ds(i * L, L)] = jnp.zeros((L,), jnp.float32)
            return c
        lax.fori_loop(0, NPAD // L, zden, 0)
        for k in range(RST_PER_TILE // ZROWS):
            pltpu.sync_copy(
                zero_v, rst_sp.at[pl.ds(sid * RST_PER_TILE + k * ZROWS, ZROWS)])

        pltpu.sync_copy(elT_hbm.at[head], el_v)
        pltpu.sync_copy(erT_hbm.at[head], er_v)

        plsc.subcore_barrier()

        m_h = plsc.load_gather(m_v, [jnp.full((L,), head, jnp.int32)])

        def super_body(sp, c1):
            sbase = ebase + sp * SUPER * CHUNK
            pltpu.sync_copy(src_hbm.at[pl.ds(sbase, SUPER * CHUNK)], src_s)
            pltpu.sync_copy(dst_hbm.at[pl.ds(sbase, SUPER * CHUNK)], dst_s)

            def chunk_body(c, c2):
                base = c * CHUNK
                for g in range(CHUNK // L):
                    s16 = src_s[pl.ds(base + g * L, L)]
                    d16 = dst_s[pl.ds(base + g * L, L)]
                    idxf_v[pl.ds(g * L, L)] = s16 * H + head
                    dstc_v[pl.ds(g * L, L)] = d16
                cp = pltpu.async_copy(feat_hbm.at[idxf_v], rows_v, sem)
                for g in range(CHUNK // L):
                    s16 = src_s[pl.ds(base + g * L, L)]
                    d16 = dst_s[pl.ds(base + g * L, L)]
                    z = (plsc.load_gather(el_v, [s16])
                         + plsc.load_gather(er_v, [d16]))
                    z = jnp.where(z > 0, z, 0.2 * z)
                    w16 = jnp.exp(z - m_h)
                    w_v[pl.ds(g * L, L)] = w16
                    plsc.addupdate_scatter(den_v, [d16], w16)
                cp.wait()

                def scale(j, c3):
                    wj = plsc.load_gather(w_v, [jnp.full((L,), j, jnp.int32)])
                    for q in range(F // L):
                        rows_v[j, pl.ds(q * L, L)] = (
                            rows_v[j, pl.ds(q * L, L)] * wj)
                    return c3
                lax.fori_loop(0, CHUNK, scale, 0)

                pltpu.sync_copy(rows_v, rst_sp.at[dstc_v], add=True)
                return c2

            lax.fori_loop(0, SUPER, chunk_body, 0)
            return c1

        lax.fori_loop(0, NCHUNK // SUPER, super_body, 0)

        plsc.subcore_barrier()

        pltpu.sync_copy(
            rst_sp.at[pl.ds(sid * RST_PER_TILE, RST_PER_TILE)],
            rst_hbm.at[head, pl.ds(sid * RST_PER_TILE, RST_PER_TILE)])
        pltpu.sync_copy(den_v, den_hbm.at[head, sid])
        return carry

    lax.fori_loop(0, HEADS_PER_CORE, head_body, 0)


def _phase2(feat_rows, elT, erT, src, dst, m16, zeros):
    mesh = plsc.VectorSubcoreMesh(core_axis_name="c", subcore_axis_name="s")
    fn = pl.kernel(
        _sc_body,
        out_type=[
            jax.ShapeDtypeStruct((H, NPAD, F), jnp.float32),
            jax.ShapeDtypeStruct((H, NS, NPAD), jnp.float32),
        ],
        mesh=mesh,
        compiler_params=pltpu.CompilerParams(needs_layout_passes=False),
        scratch_types=[
            pltpu.VMEM_SHARED((NPAD, F), jnp.float32),
            pltpu.VMEM((NPAD,), jnp.float32),
            pltpu.VMEM((NPAD,), jnp.float32),
            pltpu.VMEM((NPAD,), jnp.float32),
            pltpu.VMEM((SUPER * CHUNK,), jnp.int32),
            pltpu.VMEM((SUPER * CHUNK,), jnp.int32),
            pltpu.VMEM((CHUNK,), jnp.int32),
            pltpu.VMEM((CHUNK,), jnp.int32),
            pltpu.VMEM((CHUNK,), jnp.float32),
            pltpu.VMEM((CHUNK, F), jnp.float32),
            pltpu.VMEM((ZROWS, F), jnp.float32),
            pltpu.VMEM((L,), jnp.float32),
            pltpu.SemaphoreType.DMA,
        ],
    )
    return fn(feat_rows, elT, erT, src, dst, m16, zeros)



def _phase3_body(rst_ref, den_ref, h_ref, wih_ref, whh_ref,
                 bih_ref, bhh_ref, gb_ref, out_ref):
    hb = h_ref[...]
    den = den_ref[...]
    den = jnp.where(den == 0.0, 1.0, den)
    gi = jnp.zeros((BN, 3 * F), jnp.float32)
    for hh in range(H):
        x_h = (rst_ref[hh] / den[:, hh:hh + 1]
               + gb_ref[:, hh * F:(hh + 1) * F])
        gi = gi + lax.dot_general(
            x_h, wih_ref[:, hh * F:(hh + 1) * F],
            (((1,), (1,)), ((), ())), preferred_element_type=jnp.float32)
    gi = gi + bih_ref[...]
    gh = lax.dot_general(hb, whh_ref[...], (((1,), (1,)), ((), ())),
                         preferred_element_type=jnp.float32) + bhh_ref[...]
    i_r, i_z, i_n = gi[:, :F], gi[:, F:2 * F], gi[:, 2 * F:]
    h_r, h_z, h_n = gh[:, :F], gh[:, F:2 * F], gh[:, 2 * F:]
    r = jax.nn.sigmoid(i_r + h_r)
    z = jax.nn.sigmoid(i_z + h_z)
    ntil = jnp.tanh(i_n + r * h_n)
    h_new = (1.0 - z) * ntil + z * hb
    out_ref[...] = jnp.where(h_new > 0, h_new, jnp.exp(h_new) - 1.0)


def _phase3(rst, denT, h, W_ih, W_hh, b_ih2, b_hh2, gb2):
    grid = (N // BN,)
    return pl.pallas_call(
        _phase3_body,
        grid=grid,
        in_specs=[
            pl.BlockSpec((H, BN, F), lambda i: (0, i, 0)),
            pl.BlockSpec((BN, H), lambda i: (i, 0)),
            pl.BlockSpec((BN, F), lambda i: (i, 0)),
            pl.BlockSpec((3 * F, HF), lambda i: (0, 0)),
            pl.BlockSpec((3 * F, F), lambda i: (0, 0)),
            pl.BlockSpec((1, 3 * F), lambda i: (0, 0)),
            pl.BlockSpec((1, 3 * F), lambda i: (0, 0)),
            pl.BlockSpec((1, HF), lambda i: (0, 0)),
        ],
        out_specs=pl.BlockSpec((BN, F), lambda i: (i, 0)),
        out_shape=jax.ShapeDtypeStruct((N, F), jnp.float32),
    )(rst, denT, h, W_ih, W_hh, b_ih2, b_hh2, gb2)



def kernel(h, edge_index, W_fc, attn_l, attn_r, gat_bias, W_ih, W_hh, b_ih, b_hh):
    h = h.astype(jnp.float32)
    src = edge_index[0].astype(jnp.int32)
    dst = edge_index[1].astype(jnp.int32)

    eye = jnp.eye(H, dtype=jnp.float32)
    A_l = (attn_l[:, :, None] * eye[:, None, :]).reshape(HF, H)
    A_r = (attn_r[:, :, None] * eye[:, None, :]).reshape(HF, H)

    feat, el, er, elmax, ermax = _phase1(h, W_fc, A_l, A_r)

    m8 = elmax[0] + ermax[0]
    m8 = jnp.where(m8 > 0, m8, 0.2 * m8)
    m16 = jnp.concatenate([m8, jnp.zeros((L - H,), jnp.float32)])

    elT = jnp.pad(el.T, ((0, 0), (0, NPAD - N)))
    erT = jnp.pad(er.T, ((0, 0), (0, NPAD - N)))
    feat_rows = feat.reshape(N * H, F)
    zeros = jnp.zeros((ZROWS, F), jnp.float32)

    rst, den = _phase2(feat_rows, elT, erT, src, dst, m16, zeros)

    denT = den.sum(axis=1)[:, :N].T
    b_ih2 = b_ih.reshape(1, 3 * F)
    b_hh2 = b_hh.reshape(1, 3 * F)
    gb2 = gat_bias.reshape(1, HF)

    return _phase3(rst, denT, h, W_ih, W_hh, b_ih2, b_hh2, gb2)

# --- scband reference (transcript-rebuilt; emitter-appended) ---
"""Pipeline reference for scband-rec-gatblock-37838661877769 (READ-ONLY COPY).

The authoritative reference and input builder live on the scoring server;
editing this copy changes nothing except your own understanding.
"""

import jax, jax.numpy as jnp
import numpy as np

N = 10000
E = 320000
F_IN = 128
F_OUT = 128
H = 8


def setup_inputs(seed: int = 0) -> dict:
    key = jax.random.key(seed)
    ks = jax.random.split(key, 12)
    h = jax.random.normal(ks[0], (N, F_IN), dtype=jnp.float32)
    edge_index = jax.random.randint(ks[1], (2, E), 0, N, dtype=jnp.int64)
    s = 1.0 / np.sqrt(F_IN)
    W_fc = jax.random.uniform(ks[2], (H * F_OUT, F_IN), minval=-s, maxval=s, dtype=jnp.float32)
    attn_l = jax.random.normal(ks[3], (H, F_OUT), dtype=jnp.float32) * 0.1
    attn_r = jax.random.normal(ks[4], (H, F_OUT), dtype=jnp.float32) * 0.1
    gat_bias = jnp.zeros((H * F_OUT,), dtype=jnp.float32)
    sh = 1.0 / np.sqrt(F_OUT)
    W_ih = jax.random.uniform(ks[5], (3 * F_OUT, H * F_OUT), minval=-sh, maxval=sh, dtype=jnp.float32)
    W_hh = jax.random.uniform(ks[6], (3 * F_OUT, F_OUT), minval=-sh, maxval=sh, dtype=jnp.float32)
    b_ih = jax.random.uniform(ks[7], (3 * F_OUT,), minval=-sh, maxval=sh, dtype=jnp.float32)
    b_hh = jax.random.uniform(ks[8], (3 * F_OUT,), minval=-sh, maxval=sh, dtype=jnp.float32)
    return {"h": h, "edge_index": edge_index, "W_fc": W_fc, "attn_l": attn_l,
            "attn_r": attn_r, "gat_bias": gat_bias, "W_ih": W_ih, "W_hh": W_hh,
            "b_ih": b_ih, "b_hh": b_hh}


def _elu(x):
    return jnp.where(x > 0, x, jnp.expm1(x))


def reference(h, edge_index, W_fc, attn_l, attn_r, gat_bias, W_ih, W_hh, b_ih, b_hh):
    n = h.shape[0]
    # ---- GATConv ----
    feat = (h @ W_fc.T).reshape(n, H, F_OUT)
    el = jnp.sum(feat * attn_l[None, :, :], axis=-1)  # (N, H)
    er = jnp.sum(feat * attn_r[None, :, :], axis=-1)  # (N, H)
    src = edge_index[0]
    dst = edge_index[1]
    e = jax.nn.leaky_relu(el[src] + er[dst], negative_slope=0.2)  # (E, H)
    # edge softmax over incoming edges of each dst node
    e_max = jax.ops.segment_max(e, dst, num_segments=n)  # (N, H)
    e_exp = jnp.exp(e - e_max[dst])
    denom = jax.ops.segment_sum(e_exp, dst, num_segments=n)  # (N, H)
    denom_safe = jnp.where(denom == 0, 1.0, denom)
    alpha = e_exp / denom_safe[dst]  # (E, H)
    msg = feat[src] * alpha[:, :, None]  # (E, H, F_OUT)
    rst = jax.ops.segment_sum(msg, dst, num_segments=n)  # (N, H, F_OUT)
    rst = rst + gat_bias.reshape(1, H, F_OUT)
    x = rst.reshape(n, H * F_OUT)
    # ---- GRUCell (x, h) ----
    gi = x @ W_ih.T + b_ih
    gh = h @ W_hh.T + b_hh
    i_r, i_z, i_n = jnp.split(gi, 3, axis=1)
    h_r, h_z, h_n = jnp.split(gh, 3, axis=1)
    r = jax.nn.sigmoid(i_r + h_r)
    z = jax.nn.sigmoid(i_z + h_z)
    ntil = jnp.tanh(i_n + r * h_n)
    h_new = (1.0 - z) * ntil + z * h
    return _elu(h_new)

if __name__ == "__main__":
    import jax
    _d = setup_inputs()
    print(jax.jit(kernel)(*tuple(_d.values())))

</pallas_src>

<mosaic_0001>
#map = affine_map<(d0, d1) -> (0, 0)>
#map1 = affine_map<(d0, d1) -> (0)>
#map2 = affine_map<(d0, d1) -> (0, 0, 0)>
module attributes {stable_mosaic.version = 14 : i64} {
  func.func @_sc_body(%arg0: i32, %arg1: i32, %arg2: memref<80000x128xf32, #tpu.memory_space<hbm>>, %arg3: memref<8x10240xf32, #tpu.memory_space<hbm>>, %arg4: memref<8x10240xf32, #tpu.memory_space<hbm>>, %arg5: memref<320000xi32, #tpu.memory_space<hbm>>, %arg6: memref<320000xi32, #tpu.memory_space<hbm>>, %arg7: memref<16xf32, #tpu.memory_space<hbm>>, %arg8: memref<16x128xf32, #tpu.memory_space<hbm>>, %arg9: memref<8x10240x128xf32, #tpu.memory_space<hbm>>, %arg10: memref<8x16x10240xf32, #tpu.memory_space<hbm>>, %arg11: memref<10240x128xf32, #tpu.memory_space<vmem_shared>>, %arg12: memref<10240xf32, #tpu.memory_space<vmem>>, %arg13: memref<10240xf32, #tpu.memory_space<vmem>>, %arg14: memref<10240xf32, #tpu.memory_space<vmem>>, %arg15: memref<2000xi32, #tpu.memory_space<vmem>>, %arg16: memref<2000xi32, #tpu.memory_space<vmem>>, %arg17: memref<80xi32, #tpu.memory_space<vmem>>, %arg18: memref<80xi32, #tpu.memory_space<vmem>>, %arg19: memref<80xf32, #tpu.memory_space<vmem>>, %arg20: memref<80x128xf32, #tpu.memory_space<vmem>>, %arg21: memref<16x128xf32, #tpu.memory_space<vmem>>, %arg22: memref<16xf32, #tpu.memory_space<vmem>>, %arg23: memref<!tpu.dma_semaphore, #tpu.memory_space<semaphore_mem>>) attributes {dimension_semantics = [#tpu.dimension_semantics<core_parallel>, #tpu.dimension_semantics<subcore_parallel>], iteration_bounds = array<i64: 2, 16>, scalar_prefetch = 0 : i64, scratch_operands = 13 : i64, tpu.core_type = #tpu.core_type<sc_vector_subcore>, window_params = [{transform_indices = #map}, {transform_indices = #map}, {transform_indices = #map}, {transform_indices = #map1}, {transform_indices = #map1}, {transform_indices = #map1}, {transform_indices = #map}, {transform_indices = #map2}, {transform_indices = #map2}]} {
    %mul3A = arith.constant 20000 : i32
    %mul3A_0 = arith.muli %arg1, %mul3A : i32
    "tpu.region"() ({
      %run_scoped3A = tpu.sem_alloc : memref<!tpu.dma_semaphore, #tpu.memory_space<semaphore_mem>>
      tpu.enqueue_dma source(%arg7 : memref<16xf32, #tpu.memory_space<hbm>>) target(%arg22 : memref<16xf32, #tpu.memory_space<vmem>>) target_semaphore(%run_scoped3A : memref<!tpu.dma_semaphore, #tpu.memory_space<semaphore_mem>>)
      tpu.wait_dma2 semaphore(%run_scoped3A : memref<!tpu.dma_semaphore, #tpu.memory_space<semaphore_mem>>) src(%arg7 : memref<16xf32, #tpu.memory_space<hbm>>) dst(%arg22 : memref<16xf32, #tpu.memory_space<vmem>>)
      tpu.yield
    }) : () -> ()
    "tpu.region"() ({
      %run_scoped3A = tpu.sem_alloc : memref<!tpu.dma_semaphore, #tpu.memory_space<semaphore_mem>>
      tpu.enqueue_dma source(%arg8 : memref<16x128xf32, #tpu.memory_space<hbm>>) target(%arg21 : memref<16x128xf32, #tpu.memory_space<vmem>>) target_semaphore(%run_scoped3A : memref<!tpu.dma_semaphore, #tpu.memory_space<semaphore_mem>>)
      tpu.wait_dma2 semaphore(%run_scoped3A : memref<!tpu.dma_semaphore, #tpu.memory_space<semaphore_mem>>) src(%arg8 : memref<16x128xf32, #tpu.memory_space<hbm>>) dst(%arg21 : memref<16x128xf32, #tpu.memory_space<vmem>>)
      tpu.yield
    }) : () -> ()
    %scan3A = arith.constant 0 : i32
    %scan3A_1 = arith.constant 0 : i32
    %scan3A_2 = arith.constant 4 : i32
    %scan3A_3 = arith.addi %scan3A_1, %scan3A_2 : i32
    %scan3A_4 = arith.constant 1 : i32
    scf.for %scan3A_6 = %scan3A_1 to %scan3A_3 step %scan3A_4  : i32 {
      %mul3A_7 = arith.constant 4 : i32
      %mul3A_8 = arith.muli %arg0, %mul3A_7 : i32
      %add3A = arith.addi %mul3A_8, %scan3A_6 : i32
      %scan3A_9 = arith.constant 0 : i32
      %scan3A_10 = arith.constant 0 : i32
      %scan3A_11 = arith.constant 640 : i32
      %scan3A_12 = arith.addi %scan3A_10, %scan3A_11 : i32
      %scan3A_13 = arith.constant 1 : i32
      scf.for %scan3A_186 = %scan3A_10 to %scan3A_12 step %scan3A_13  : i32 {
        %broadcast_in_dim3A_187 = arith.constant 0.000000e+00 : f32
        %broadcast_in_dim3A_188 = vector.broadcast %broadcast_in_dim3A_187 : f32 to vector<16xf32>
        %mul3A_189 = arith.constant 16 : i32
        %mul3A_190 = arith.muli %scan3A_186, %mul3A_189 : i32
        %swap3A = arith.index_cast %mul3A_190 : i32 to index
        %swap3A_191 = tpu.vector_load %arg14[%swap3A] {strides = array<i32>} : memref<10240xf32, #tpu.memory_space<vmem>>, vector<16xf32>,
        tpu.vector_store %arg14[%swap3A], %broadcast_in_dim3A_188 {strides = array<i32>} : memref<10240xf32, #tpu.memory_space<vmem>>, vector<16xf32>,
      }
      %scan3A_14 = arith.constant 640 : i32
      %mul3A_15 = arith.constant 640 : i32
      %mul3A_16 = arith.muli %arg1, %mul3A_15 : i32
      %add3A_17 = arith.constant 0 : i32
      %add3A_18 = arith.addi %mul3A_16, %add3A_17 : i32
      "tpu.region"() ({
        %run_scoped3A = tpu.sem_alloc : memref<!tpu.dma_semaphore, #tpu.memory_space<semaphore_mem>>
        %dma_start3A = arith.constant 0 : i32
        %dma_start3A_186 = tpu.memref_slice %arg11[%add3A_18, %dma_start3A] : memref<10240x128xf32, #tpu.memory_space<vmem_shared>> -> memref<16x128xf32, #tpu.memory_space<vmem_shared>>
        %dma_start3A_187 = arith.constant 0 : i32
        %dma_start3A_188 = tpu.memref_slice %arg11[%add3A_18, %dma_start3A_187] : memref<10240x128xf32, #tpu.memory_space<vmem_shared>> -> memref<16x128xf32, #tpu.memory_space<vmem_shared>>
        tpu.enqueue_dma source(%arg21 : memref<16x128xf32, #tpu.memory_space<vmem>>) target(%dma_start3A_188 : memref<16x128xf32, #tpu.memory_space<vmem_shared>>) target_semaphore(%run_scoped3A : memref<!tpu.dma_semaphore, #tpu.memory_space<semaphore_mem>>)
        %dma_wait3A = arith.constant 0 : i32
        %dma_wait3A_189 = tpu.memref_slice %arg11[%add3A_18, %dma_wait3A] : memref<10240x128xf32, #tpu.memory_space<vmem_shared>> -> memref<16x128xf32, #tpu.memory_space<vmem_shared>>
        %dma_wait3A_190 = arith.constant 0 : i32
        %dma_wait3A_191 = tpu.memref_slice %arg11[%add3A_18, %dma_wait3A_190] : memref<10240x128xf32, #tpu.memory_space<vmem_shared>> -> memref<16x128xf32, #tpu.memory_space<vmem_shared>>
        tpu.wait_dma2 semaphore(%run_scoped3A : memref<!tpu.dma_semaphore, #tpu.memory_space<semaphore_mem>>) src(%arg21 : memref<16x128xf32, #tpu.memory_space<vmem>>) dst(%dma_wait3A_191 : memref<16x128xf32, #tpu.memory_space<vmem_shared>>)
        tpu.yield
      }) : () -> ()
      %mul3A_19 = arith.constant 640 : i32
      %mul3A_20 = arith.muli %arg1, %mul3A_19 : i32
      %add3A_21 = arith.constant 16 : i32
      %add3A_22 = arith.addi %mul3A_20, %add3A_21 : i32
      "tpu.region"() ({
        %run_scoped3A = tpu.sem_alloc : memref<!tpu.dma_semaphore, #tpu.memory_space<semaphore_mem>>
        %dma_start3A = arith.constant 0 : i32
        %dma_start3A_186 = tpu.memref_slice %arg11[%add3A_22, %dma_start3A] : memref<10240x128xf32, #tpu.memory_space<vmem_shared>> -> memref<16x128xf32, #tpu.memory_space<vmem_shared>>
        %dma_start3A_187 = arith.constant 0 : i32
        %dma_start3A_188 = tpu.memref_slice %arg11[%add3A_22, %dma_start3A_187] : memref<10240x128xf32, #tpu.memory_space<vmem_shared>> -> memref<16x128xf32, #tpu.memory_space<vmem_shared>>
        tpu.enqueue_dma source(%arg21 : memref<16x128xf32, #tpu.memory_space<vmem>>) target(%dma_start3A_188 : memref<16x128xf32, #tpu.memory_space<vmem_shared>>) target_semaphore(%run_scoped3A : memref<!tpu.dma_semaphore, #tpu.memory_space<semaphore_mem>>)
        %dma_wait3A = arith.constant 0 : i32
        %dma_wait3A_189 = tpu.memref_slice %arg11[%add3A_22, %dma_wait3A] : memref<10240x128xf32, #tpu.memory_space<vmem_shared>> -> memref<16x128xf32, #tpu.memory_space<vmem_shared>>
        %dma_wait3A_190 = arith.constant 0 : i32
        %dma_wait3A_191 = tpu.memref_slice %arg11[%add3A_22, %dma_wait3A_190] : memref<10240x128xf32, #tpu.memory_space<vmem_shared>> -> memref<16x128xf32, #tpu.memory_space<vmem_shared>>
        tpu.wait_dma2 semaphore(%run_scoped3A : memref<!tpu.dma_semaphore, #tpu.memory_space<semaphore_mem>>) src(%arg21 : memref<16x128xf32, #tpu.memory_space<vmem>>) dst(%dma_wait3A_191 : memref<16x128xf32, #tpu.memory_space<vmem_shared>>)
        tpu.yield
      }) : () -> ()
      %mul3A_23 = arith.constant 640 : i32
      %mul3A_24 = arith.muli %arg1, %mul3A_23 : i32
      %add3A_25 = arith.constant 32 : i32
      %add3A_26 = arith.addi %mul3A_24, %add3A_25 : i32
      "tpu.region"() ({
        %run_scoped3A = tpu.sem_alloc : memref<!tpu.dma_semaphore, #tpu.memory_space<semaphore_mem>>
        %dma_start3A = arith.constant 0 : i32
        %dma_start3A_186 = tpu.memref_slice %arg11[%add3A_26, %dma_start3A] : memref<10240x128xf32, #tpu.memory_space<vmem_shared>> -> memref<16x128xf32, #tpu.memory_space<vmem_shared>>
        %dma_start3A_187 = arith.constant 0 : i32
        %dma_start3A_188 = tpu.memref_slice %arg11[%add3A_26, %dma_start3A_187] : memref<10240x128xf32, #tpu.memory_space<vmem_shared>> -> memref<16x128xf32, #tpu.memory_space<vmem_shared>>
        tpu.enqueue_dma source(%arg21 : memref<16x128xf32, #tpu.memory_space<vmem>>) target(%dma_start3A_188 : memref<16x128xf32, #tpu.memory_space<vmem_shared>>) target_semaphore(%run_scoped3A : memref<!tpu.dma_semaphore, #tpu.memory_space<semaphore_mem>>)
        %dma_wait3A = arith.constant 0 : i32
        %dma_wait3A_189 = tpu.memref_slice %arg11[%add3A_26, %dma_wait3A] : memref<10240x128xf32, #tpu.memory_space<vmem_shared>> -> memref<16x128xf32, #tpu.memory_space<vmem_shared>>
        %dma_wait3A_190 = arith.constant 0 : i32
        %dma_wait3A_191 = tpu.memref_slice %arg11[%add3A_26, %dma_wait3A_190] : memref<10240x128xf32, #tpu.memory_space<vmem_shared>> -> memref<16x128xf32, #tpu.memory_space<vmem_shared>>
        tpu.wait_dma2 semaphore(%run_scoped3A : memref<!tpu.dma_semaphore, #tpu.memory_space<semaphore_mem>>) src(%arg21 : memref<16x128xf32, #tpu.memory_space<vmem>>) dst(%dma_wait3A_191 : memref<16x128xf32, #tpu.memory_space<vmem_shared>>)
        tpu.yield
      }) : () -> ()
      %mul3A_27 = arith.constant 640 : i32
      %mul3A_28 = arith.muli %arg1, %mul3A_27 : i32
      %add3A_29 = arith.constant 48 : i32
      %add3A_30 = arith.addi %mul3A_28, %add3A_29 : i32
      "tpu.region"() ({
        %run_scoped3A = tpu.sem_alloc : memref<!tpu.dma_semaphore, #tpu.memory_space<semaphore_mem>>
        %dma_start3A = arith.constant 0 : i32
        %dma_start3A_186 = tpu.memref_slice %arg11[%add3A_30, %dma_start3A] : memref<10240x128xf32, #tpu.memory_space<vmem_shared>> -> memref<16x128xf32, #tpu.memory_space<vmem_shared>>
        %dma_start3A_187 = arith.constant 0 : i32
        %dma_start3A_188 = tpu.memref_slice %arg11[%add3A_30, %dma_start3A_187] : memref<10240x128xf32, #tpu.memory_space<vmem_shared>> -> memref<16x128xf32, #tpu.memory_space<vmem_shared>>
        tpu.enqueue_dma source(%arg21 : memref<16x128xf32, #tpu.memory_space<vmem>>) target(%dma_start3A_188 : memref<16x128xf32, #tpu.memory_space<vmem_shared>>) target_semaphore(%run_scoped3A : memref<!tpu.dma_semaphore, #tpu.memory_space<semaphore_mem>>)
        %dma_wait3A = arith.constant 0 : i32
        %dma_wait3A_189 = tpu.memref_slice %arg11[%add3A_30, %dma_wait3A] : memref<10240x128xf32, #tpu.memory_space<vmem_shared>> -> memref<16x128xf32, #tpu.memory_space<vmem_shared>>
        %dma_wait3A_190 = arith.constant 0 : i32
        %dma_wait3A_191 = tpu.memref_slice %arg11[%add3A_30, %dma_wait3A_190] : memref<10240x128xf32, #tpu.memory_space<vmem_shared>> -> memref<16x128xf32, #tpu.memory_space<vmem_shared>>
        tpu.wait_dma2 semaphore(%run_scoped3A : memref<!tpu.dma_semaphore, #tpu.memory_space<semaphore_mem>>) src(%arg21 : memref<16x128xf32, #tpu.memory_space<vmem>>) dst(%dma_wait3A_191 : memref<16x128xf32, #tpu.memory_space<vmem_shared>>)
        tpu.yield
      }) : () -> ()
      %mul3A_31 = arith.constant 640 : i32
      %mul3A_32 = arith.muli %arg1, %mul3A_31 : i32
      %add3A_33 = arith.constant 64 : i32
      %add3A_34 = arith.addi %mul3A_32, %add3A_33 : i32
      "tpu.region"() ({
        %run_scoped3A = tpu.sem_alloc : memref<!tpu.dma_semaphore, #tpu.memory_space<semaphore_mem>>
        %dma_start3A = arith.constant 0 : i32
        %dma_start3A_186 = tpu.memref_slice %arg11[%add3A_34, %dma_start3A] : memref<10240x128xf32, #tpu.memory_space<vmem_shared>> -> memref<16x128xf32, #tpu.memory_space<vmem_shared>>
        %dma_start3A_187 = arith.constant 0 : i32
        %dma_start3A_188 = tpu.memref_slice %arg11[%add3A_34, %dma_start3A_187] : memref<10240x128xf32, #tpu.memory_space<vmem_shared>> -> memref<16x128xf32, #tpu.memory_space<vmem_shared>>
        tpu.enqueue_dma source(%arg21 : memref<16x128xf32, #tpu.memory_space<vmem>>) target(%dma_start3A_188 : memref<16x128xf32, #tpu.memory_space<vmem_shared>>) target_semaphore(%run_scoped3A : memref<!tpu.dma_semaphore, #tpu.memory_space<semaphore_mem>>)
        %dma_wait3A = arith.constant 0 : i32
        %dma_wait3A_189 = tpu.memref_slice %arg11[%add3A_34, %dma_wait3A] : memref<10240x128xf32, #tpu.memory_space<vmem_shared>> -> memref<16x128xf32, #tpu.memory_space<vmem_shared>>
        %dma_wait3A_190 = arith.constant 0 : i32
        %dma_wait3A_191 = tpu.memref_slice %arg11[%add3A_34, %dma_wait3A_190] : memref<10240x128xf32, #tpu.memory_space<vmem_shared>> -> memref<16x128xf32, #tpu.memory_space<vmem_shared>>
        tpu.wait_dma2 semaphore(%run_scoped3A : memref<!tpu.dma_semaphore, #tpu.memory_space<semaphore_mem>>) src(%arg21 : memref<16x128xf32, #tpu.memory_space<vmem>>) dst(%dma_wait3A_191 : memref<16x128xf32, #tpu.memory_space<vmem_shared>>)
        tpu.yield
      }) : () -> ()
      %mul3A_35 = arith.constant 640 : i32
      %mul3A_36 = arith.muli %arg1, %mul3A_35 : i32
      %add3A_37 = arith.constant 80 : i32
      %add3A_38 = arith.addi %mul3A_36, %add3A_37 : i32
      "tpu.region"() ({
        %run_scoped3A = tpu.sem_alloc : memref<!tpu.dma_semaphore, #tpu.memory_space<semaphore_mem>>
        %dma_start3A = arith.constant 0 : i32
        %dma_start3A_186 = tpu.memref_slice %arg11[%add3A_38, %dma_start3A] : memref<10240x128xf32, #tpu.memory_space<vmem_shared>> -> memref<16x128xf32, #tpu.memory_space<vmem_shared>>
        %dma_start3A_187 = arith.constant 0 : i32
        %dma_start3A_188 = tpu.memref_slice %arg11[%add3A_38, %dma_start3A_187] : memref<10240x128xf32, #tpu.memory_space<vmem_shared>> -> memref<16x128xf32, #tpu.memory_space<vmem_shared>>
        tpu.enqueue_dma source(%arg21 : memref<16x128xf32, #tpu.memory_space<vmem>>) target(%dma_start3A_188 : memref<16x128xf32, #tpu.memory_space<vmem_shared>>) target_semaphore(%run_scoped3A : memref<!tpu.dma_semaphore, #tpu.memory_space<semaphore_mem>>)
        %dma_wait3A = arith.constant 0 : i32
        %dma_wait3A_189 = tpu.memref_slice %arg11[%add3A_38, %dma_wait3A] : memref<10240x128xf32, #tpu.memory_space<vmem_shared>> -> memref<16x128xf32, #tpu.memory_space<vmem_shared>>
        %dma_wait3A_190 = arith.constant 0 : i32
        %dma_wait3A_191 = tpu.memref_slice %arg11[%add3A_38, %dma_wait3A_190] : memref<10240x128xf32, #tpu.memory_space<vmem_shared>> -> memref<16x128xf32, #tpu.memory_space<vmem_shared>>
        tpu.wait_dma2 semaphore(%run_scoped3A : memref<!tpu.dma_semaphore, #tpu.memory_space<semaphore_mem>>) src(%arg21 : memref<16x128xf32, #tpu.memory_space<vmem>>) dst(%dma_wait3A_191 : memref<16x128xf32, #tpu.memory_space<vmem_shared>>)
        tpu.yield
      }) : () -> ()
      %mul3A_39 = arith.constant 640 : i32
      %mul3A_40 = arith.muli %arg1, %mul3A_39 : i32
      %add3A_41 = arith.constant 96 : i32
      %add3A_42 = arith.addi %mul3A_40, %add3A_41 : i32
      "tpu.region"() ({
        %run_scoped3A = tpu.sem_alloc : memref<!tpu.dma_semaphore, #tpu.memory_space<semaphore_mem>>
        %dma_start3A = arith.constant 0 : i32
        %dma_start3A_186 = tpu.memref_slice %arg11[%add3A_42, %dma_start3A] : memref<10240x128xf32, #tpu.memory_space<vmem_shared>> -> memref<16x128xf32, #tpu.memory_space<vmem_shared>>
        %dma_start3A_187 = arith.constant 0 : i32
        %dma_start3A_188 = tpu.memref_slice %arg11[%add3A_42, %dma_start3A_187] : memref<10240x128xf32, #tpu.memory_space<vmem_shared>> -> memref<16x128xf32, #tpu.memory_space<vmem_shared>>
        tpu.enqueue_dma source(%arg21 : memref<16x128xf32, #tpu.memory_space<vmem>>) target(%dma_start3A_188 : memref<16x128xf32, #tpu.memory_space<vmem_shared>>) target_semaphore(%run_scoped3A : memref<!tpu.dma_semaphore, #tpu.memory_space<semaphore_mem>>)
        %dma_wait3A = arith.constant 0 : i32
        %dma_wait3A_189 = tpu.memref_slice %arg11[%add3A_42, %dma_wait3A] : memref<10240x128xf32, #tpu.memory_space<vmem_shared>> -> memref<16x128xf32, #tpu.memory_space<vmem_shared>>
        %dma_wait3A_190 = arith.constant 0 : i32
        %dma_wait3A_191 = tpu.memref_slice %arg11[%add3A_42, %dma_wait3A_190] : memref<10240x128xf32, #tpu.memory_space<vmem_shared>> -> memref<16x128xf32, #tpu.memory_space<vmem_shared>>
        tpu.wait_dma2 semaphore(%run_scoped3A : memref<!tpu.dma_semaphore, #tpu.memory_space<semaphore_mem>>) src(%arg21 : memref<16x128xf32, #tpu.memory_space<vmem>>) dst(%dma_wait3A_191 : memref<16x128xf32, #tpu.memory_space<vmem_shared>>)
        tpu.yield
      }) : () -> ()
      %mul3A_43 = arith.constant 640 : i32
      %mul3A_44 = arith.muli %arg1, %mul3A_43 : i32
      %add3A_45 = arith.constant 112 : i32
      %add3A_46 = arith.addi %mul3A_44, %add3A_45 : i32
      "tpu.region"() ({
        %run_scoped3A = tpu.sem_alloc : memref<!tpu.dma_semaphore, #tpu.memory_space<semaphore_mem>>
        %dma_start3A = arith.constant 0 : i32
        %dma_start3A_186 = tpu.memref_slice %arg11[%add3A_46, %dma_start3A] : memref<10240x128xf32, #tpu.memory_space<vmem_shared>> -> memref<16x128xf32, #tpu.memory_space<vmem_shared>>
        %dma_start3A_187 = arith.constant 0 : i32
        %dma_start3A_188 = tpu.memref_slice %arg11[%add3A_46, %dma_start3A_187] : memref<10240x128xf32, #tpu.memory_space<vmem_shared>> -> memref<16x128xf32, #tpu.memory_space<vmem_shared>>
        tpu.enqueue_dma source(%arg21 : memref<16x128xf32, #tpu.memory_space<vmem>>) target(%dma_start3A_188 : memref<16x128xf32, #tpu.memory_space<vmem_shared>>) target_semaphore(%run_scoped3A : memref<!tpu.dma_semaphore, #tpu.memory_space<semaphore_mem>>)
        %dma_wait3A = arith.constant 0 : i32
        %dma_wait3A_189 = tpu.memref_slice %arg11[%add3A_46, %dma_wait3A] : memref<10240x128xf32, #tpu.memory_space<vmem_shared>> -> memref<16x128xf32, #tpu.memory_space<vmem_shared>>
        %dma_wait3A_190 = arith.constant 0 : i32
        %dma_wait3A_191 = tpu.memref_slice %arg11[%add3A_46, %dma_wait3A_190] : memref<10240x128xf32, #tpu.memory_space<vmem_shared>> -> memref<16x128xf32, #tpu.memory_space<vmem_shared>>
        tpu.wait_dma2 semaphore(%run_scoped3A : memref<!tpu.dma_semaphore, #tpu.memory_space<semaphore_mem>>) src(%arg21 : memref<16x128xf32, #tpu.memory_space<vmem>>) dst(%dma_wait3A_191 : memref<16x128xf32, #tpu.memory_space<vmem_shared>>)
        tpu.yield
      }) : () -> ()
      %mul3A_47 = arith.constant 640 : i32
      %mul3A_48 = arith.muli %arg1, %mul3A_47 : i32
      %add3A_49 = arith.constant 128 : i32
      %add3A_50 = arith.addi %mul3A_48, %add3A_49 : i32
      "tpu.region"() ({
        %run_scoped3A = tpu.sem_alloc : memref<!tpu.dma_semaphore, #tpu.memory_space<semaphore_mem>>
        %dma_start3A = arith.constant 0 : i32
        %dma_start3A_186 = tpu.memref_slice %arg11[%add3A_50, %dma_start3A] : memref<10240x128xf32, #tpu.memory_space<vmem_shared>> -> memref<16x128xf32, #tpu.memory_space<vmem_shared>>
        %dma_start3A_187 = arith.constant 0 : i32
        %dma_start3A_188 = tpu.memref_slice %arg11[%add3A_50, %dma_start3A_187] : memref<10240x128xf32, #tpu.memory_space<vmem_shared>> -> memref<16x128xf32, #tpu.memory_space<vmem_shared>>
        tpu.enqueue_dma source(%arg21 : memref<16x128xf32, #tpu.memory_space<vmem>>) target(%dma_start3A_188 : memref<16x128xf32, #tpu.memory_space<vmem_shared>>) target_semaphore(%run_scoped3A : memref<!tpu.dma_semaphore, #tpu.memory_space<semaphore_mem>>)
        %dma_wait3A = arith.constant 0 : i32
        %dma_wait3A_189 = tpu.memref_slice %arg11[%add3A_50, %dma_wait3A] : memref<10240x128xf32, #tpu.memory_space<vmem_shared>> -> memref<16x128xf32, #tpu.memory_space<vmem_shared>>
        %dma_wait3A_190 = arith.constant 0 : i32
        %dma_wait3A_191 = tpu.memref_slice %arg11[%add3A_50, %dma_wait3A_190] : memref<10240x128xf32, #tpu.memory_space<vmem_shared>> -> memref<16x128xf32, #tpu.memory_space<vmem_shared>>
        tpu.wait_dma2 semaphore(%run_scoped3A : memref<!tpu.dma_semaphore, #tpu.memory_space<semaphore_mem>>) src(%arg21 : memref<16x128xf32, #tpu.memory_space<vmem>>) dst(%dma_wait3A_191 : memref<16x128xf32, #tpu.memory_space<vmem_shared>>)
        tpu.yield
      }) : () -> ()
      %mul3A_51 = arith.constant 640 : i32
      %mul3A_52 = arith.muli %arg1, %mul3A_51 : i32
      %add3A_53 = arith.constant 144 : i32
      %add3A_54 = arith.addi %mul3A_52, %add3A_53 : i32
      "tpu.region"() ({
        %run_scoped3A = tpu.sem_alloc : memref<!tpu.dma_semaphore, #tpu.memory_space<semaphore_mem>>
        %dma_start3A = arith.constant 0 : i32
        %dma_start3A_186 = tpu.memref_slice %arg11[%add3A_54, %dma_start3A] : memref<10240x128xf32, #tpu.memory_space<vmem_shared>> -> memref<16x128xf32, #tpu.memory_space<vmem_shared>>
        %dma_start3A_187 = arith.constant 0 : i32
        %dma_start3A_188 = tpu.memref_slice %arg11[%add3A_54, %dma_start3A_187] : memref<10240x128xf32, #tpu.memory_space<vmem_shared>> -> memref<16x128xf32, #tpu.memory_space<vmem_shared>>
        tpu.enqueue_dma source(%arg21 : memref<16x128xf32, #tpu.memory_space<vmem>>) target(%dma_start3A_188 : memref<16x128xf32, #tpu.memory_space<vmem_shared>>) target_semaphore(%run_scoped3A : memref<!tpu.dma_semaphore, #tpu.memory_space<semaphore_mem>>)
        %dma_wait3A = arith.constant 0 : i32
        %dma_wait3A_189 = tpu.memref_slice %arg11[%add3A_54, %dma_wait3A] : memref<10240x128xf32, #tpu.memory_space<vmem_shared>> -> memref<16x128xf32, #tpu.memory_space<vmem_shared>>
        %dma_wait3A_190 = arith.constant 0 : i32
        %dma_wait3A_191 = tpu.memref_slice %arg11[%add3A_54, %dma_wait3A_190] : memref<10240x128xf32, #tpu.memory_space<vmem_shared>> -> memref<16x128xf32, #tpu.memory_space<vmem_shared>>
        tpu.wait_dma2 semaphore(%run_scoped3A : memref<!tpu.dma_semaphore, #tpu.memory_space<semaphore_mem>>) src(%arg21 : memref<16x128xf32, #tpu.memory_space<vmem>>) dst(%dma_wait3A_191 : memref<16x128xf32, #tpu.memory_space<vmem_shared>>)
        tpu.yield
      }) : () -> ()
      %mul3A_55 = arith.constant 640 : i32
      %mul3A_56 = arith.muli %arg1, %mul3A_55 : i32
      %add3A_57 = arith.constant 160 : i32
      %add3A_58 = arith.addi %mul3A_56, %add3A_57 : i32
      "tpu.region"() ({
        %run_scoped3A = tpu.sem_alloc : memref<!tpu.dma_semaphore, #tpu.memory_space<semaphore_mem>>
        %dma_start3A = arith.constant 0 : i32
        %dma_start3A_186 = tpu.memref_slice %arg11[%add3A_58, %dma_start3A] : memref<10240x128xf32, #tpu.memory_space<vmem_shared>> -> memref<16x128xf32, #tpu.memory_space<vmem_shared>>
        %dma_start3A_187 = arith.constant 0 : i32
        %dma_start3A_188 = tpu.memref_slice %arg11[%add3A_58, %dma_start3A_187] : memref<10240x128xf32, #tpu.memory_space<vmem_shared>> -> memref<16x128xf32, #tpu.memory_space<vmem_shared>>
        tpu.enqueue_dma source(%arg21 : memref<16x128xf32, #tpu.memory_space<vmem>>) target(%dma_start3A_188 : memref<16x128xf32, #tpu.memory_space<vmem_shared>>) target_semaphore(%run_scoped3A : memref<!tpu.dma_semaphore, #tpu.memory_space<semaphore_mem>>)
        %dma_wait3A = arith.constant 0 : i32
        %dma_wait3A_189 = tpu.memref_slice %arg11[%add3A_58, %dma_wait3A] : memref<10240x128xf32, #tpu.memory_space<vmem_shared>> -> memref<16x128xf32, #tpu.memory_space<vmem_shared>>
        %dma_wait3A_190 = arith.constant 0 : i32
        %dma_wait3A_191 = tpu.memref_slice %arg11[%add3A_58, %dma_wait3A_190] : memref<10240x128xf32, #tpu.memory_space<vmem_shared>> -> memref<16x128xf32, #tpu.memory_space<vmem_shared>>
        tpu.wait_dma2 semaphore(%run_scoped3A : memref<!tpu.dma_semaphore, #tpu.memory_space<semaphore_mem>>) src(%arg21 : memref<16x128xf32, #tpu.memory_space<vmem>>) dst(%dma_wait3A_191 : memref<16x128xf32, #tpu.memory_space<vmem_shared>>)
        tpu.yield
      }) : () -> ()
      %mul3A_59 = arith.constant 640 : i32
      %mul3A_60 = arith.muli %arg1, %mul3A_59 : i32
      %add3A_61 = arith.constant 176 : i32
      %add3A_62 = arith.addi %mul3A_60, %add3A_61 : i32
      "tpu.region"() ({
        %run_scoped3A = tpu.sem_alloc : memref<!tpu.dma_semaphore, #tpu.memory_space<semaphore_mem>>
        %dma_start3A = arith.constant 0 : i32
        %dma_start3A_186 = tpu.memref_slice %arg11[%add3A_62, %dma_start3A] : memref<10240x128xf32, #tpu.memory_space<vmem_shared>> -> memref<16x128xf32, #tpu.memory_space<vmem_shared>>
        %dma_start3A_187 = arith.constant 0 : i32
        %dma_start3A_188 = tpu.memref_slice %arg11[%add3A_62, %dma_start3A_187] : memref<10240x128xf32, #tpu.memory_space<vmem_shared>> -> memref<16x128xf32, #tpu.memory_space<vmem_shared>>
        tpu.enqueue_dma source(%arg21 : memref<16x128xf32, #tpu.memory_space<vmem>>) target(%dma_start3A_188 : memref<16x128xf32, #tpu.memory_space<vmem_shared>>) target_semaphore(%run_scoped3A : memref<!tpu.dma_semaphore, #tpu.memory_space<semaphore_mem>>)
        %dma_wait3A = arith.constant 0 : i32
        %dma_wait3A_189 = tpu.memref_slice %arg11[%add3A_62, %dma_wait3A] : memref<10240x128xf32, #tpu.memory_space<vmem_shared>> -> memref<16x128xf32, #tpu.memory_space<vmem_shared>>
        %dma_wait3A_190 = arith.constant 0 : i32
        %dma_wait3A_191 = tpu.memref_slice %arg11[%add3A_62, %dma_wait3A_190] : memref<10240x128xf32, #tpu.memory_space<vmem_shared>> -> memref<16x128xf32, #tpu.memory_space<vmem_shared>>
        tpu.wait_dma2 semaphore(%run_scoped3A : memref<!tpu.dma_semaphore, #tpu.memory_space<semaphore_mem>>) src(%arg21 : memref<16x128xf32, #tpu.memory_space<vmem>>) dst(%dma_wait3A_191 : memref<16x128xf32, #tpu.memory_space<vmem_shared>>)
        tpu.yield
      }) : () -> ()
      %mul3A_63 = arith.constant 640 : i32
      %mul3A_64 = arith.muli %arg1, %mul3A_63 : i32
      %add3A_65 = arith.constant 192 : i32
      %add3A_66 = arith.addi %mul3A_64, %add3A_65 : i32
      "tpu.region"() ({
        %run_scoped3A = tpu.sem_alloc : memref<!tpu.dma_semaphore, #tpu.memory_space<semaphore_mem>>
        %dma_start3A = arith.constant 0 : i32
        %dma_start3A_186 = tpu.memref_slice %arg11[%add3A_66, %dma_start3A] : memref<10240x128xf32, #tpu.memory_space<vmem_shared>> -> memref<16x128xf32, #tpu.memory_space<vmem_shared>>
        %dma_start3A_187 = arith.constant 0 : i32
        %dma_start3A_188 = tpu.memref_slice %arg11[%add3A_66, %dma_start3A_187] : memref<10240x128xf32, #tpu.memory_space<vmem_shared>> -> memref<16x128xf32, #tpu.memory_space<vmem_shared>>
        tpu.enqueue_dma source(%arg21 : memref<16x128xf32, #tpu.memory_space<vmem>>) target(%dma_start3A_188 : memref<16x128xf32, #tpu.memory_space<vmem_shared>>) target_semaphore(%run_scoped3A : memref<!tpu.dma_semaphore, #tpu.memory_space<semaphore_mem>>)
        %dma_wait3A = arith.constant 0 : i32
        %dma_wait3A_189 = tpu.memref_slice %arg11[%add3A_66, %dma_wait3A] : memref<10240x128xf32, #tpu.memory_space<vmem_shared>> -> memref<16x128xf32, #tpu.memory_space<vmem_shared>>
        %dma_wait3A_190 = arith.constant 0 : i32
        %dma_wait3A_191 = tpu.memref_slice %arg11[%add3A_66, %dma_wait3A_190] : memref<10240x128xf32, #tpu.memory_space<vmem_shared>> -> memref<16x128xf32, #tpu.memory_space<vmem_shared>>
        tpu.wait_dma2 semaphore(%run_scoped3A : memref<!tpu.dma_semaphore, #tpu.memory_space<semaphore_mem>>) src(%arg21 : memref<16x128xf32, #tpu.memory_space<vmem>>) dst(%dma_wait3A_191 : memref<16x128xf32, #tpu.memory_space<vmem_shared>>)
        tpu.yield
      }) : () -> ()
      %mul3A_67 = arith.constant 640 : i32
      %mul3A_68 = arith.muli %arg1, %mul3A_67 : i32
      %add3A_69 = arith.constant 208 : i32
      %add3A_70 = arith.addi %mul3A_68, %add3A_69 : i32
      "tpu.region"() ({
        %run_scoped3A = tpu.sem_alloc : memref<!tpu.dma_semaphore, #tpu.memory_space<semaphore_mem>>
        %dma_start3A = arith.constant 0 : i32
        %dma_start3A_186 = tpu.memref_slice %arg11[%add3A_70, %dma_start3A] : memref<10240x128xf32, #tpu.memory_space<vmem_shared>> -> memref<16x128xf32, #tpu.memory_space<vmem_shared>>
        %dma_start3A_187 = arith.constant 0 : i32
        %dma_start3A_188 = tpu.memref_slice %arg11[%add3A_70, %dma_start3A_187] : memref<10240x128xf32, #tpu.memory_space<vmem_shared>> -> memref<16x128xf32, #tpu.memory_space<vmem_shared>>
        tpu.enqueue_dma source(%arg21 : memref<16x128xf32, #tpu.memory_space<vmem>>) target(%dma_start3A_188 : memref<16x128xf32, #tpu.memory_space<vmem_shared>>) target_semaphore(%run_scoped3A : memref<!tpu.dma_semaphore, #tpu.memory_space<semaphore_mem>>)
        %dma_wait3A = arith.constant 0 : i32
        %dma_wait3A_189 = tpu.memref_slice %arg11[%add3A_70, %dma_wait3A] : memref<10240x128xf32, #tpu.memory_space<vmem_shared>> -> memref<16x128xf32, #tpu.memory_space<vmem_shared>>
        %dma_wait3A_190 = arith.constant 0 : i32
        %dma_wait3A_191 = tpu.memref_slice %arg11[%add3A_70, %dma_wait3A_190] : memref<10240x128xf32, #tpu.memory_space<vmem_shared>> -> memref<16x128xf32, #tpu.memory_space<vmem_shared>>
        tpu.wait_dma2 semaphore(%run_scoped3A : memref<!tpu.dma_semaphore, #tpu.memory_space<semaphore_mem>>) src(%arg21 : memref<16x128xf32, #tpu.memory_space<vmem>>) dst(%dma_wait3A_191 : memref<16x128xf32, #tpu.memory_space<vmem_shared>>)
        tpu.yield
      }) : () -> ()
      %mul3A_71 = arith.constant 640 : i32
      %mul3A_72 = arith.muli %arg1, %mul3A_71 : i32
      %add3A_73 = arith.constant 224 : i32
      %add3A_74 = arith.addi %mul3A_72, %add3A_73 : i32
      "tpu.region"() ({
        %run_scoped3A = tpu.sem_alloc : memref<!tpu.dma_semaphore, #tpu.memory_space<semaphore_mem>>
        %dma_start3A = arith.constant 0 : i32
        %dma_start3A_186 = tpu.memref_slice %arg11[%add3A_74, %dma_start3A] : memref<10240x128xf32, #tpu.memory_space<vmem_shared>> -> memref<16x128xf32, #tpu.memory_space<vmem_shared>>
        %dma_start3A_187 = arith.constant 0 : i32
        %dma_start3A_188 = tpu.memref_slice %arg11[%add3A_74, %dma_start3A_187] : memref<10240x128xf32, #tpu.memory_space<vmem_shared>> -> memref<16x128xf32, #tpu.memory_space<vmem_shared>>
        tpu.enqueue_dma source(%arg21 : memref<16x128xf32, #tpu.memory_space<vmem>>) target(%dma_start3A_188 : memref<16x128xf32, #tpu.memory_space<vmem_shared>>) target_semaphore(%run_scoped3A : memref<!tpu.dma_semaphore, #tpu.memory_space<semaphore_mem>>)
        %dma_wait3A = arith.constant 0 : i32
        %dma_wait3A_189 = tpu.memref_slice %arg11[%add3A_74, %dma_wait3A] : memref<10240x128xf32, #tpu.memory_space<vmem_shared>> -> memref<16x128xf32, #tpu.memory_space<vmem_shared>>
        %dma_wait3A_190 = arith.constant 0 : i32
        %dma_wait3A_191 = tpu.memref_slice %arg11[%add3A_74, %dma_wait3A_190] : memref<10240x128xf32, #tpu.memory_space<vmem_shared>> -> memref<16x128xf32, #tpu.memory_space<vmem_shared>>
        tpu.wait_dma2 semaphore(%run_scoped3A : memref<!tpu.dma_semaphore, #tpu.memory_space<semaphore_mem>>) src(%arg21 : memref<16x128xf32, #tpu.memory_space<vmem>>) dst(%dma_wait3A_191 : memref<16x128xf32, #tpu.memory_space<vmem_shared>>)
        tpu.yield
      }) : () -> ()
      %mul3A_75 = arith.constant 640 : i32
      %mul3A_76 = arith.muli %arg1, %mul3A_75 : i32
      %add3A_77 = arith.constant 240 : i32
      %add3A_78 = arith.addi %mul3A_76, %add3A_77 : i32
      "tpu.region"() ({
        %run_scoped3A = tpu.sem_alloc : memref<!tpu.dma_semaphore, #tpu.memory_space<semaphore_mem>>
        %dma_start3A = arith.constant 0 : i32
        %dma_start3A_186 = tpu.memref_slice %arg11[%add3A_78, %dma_start3A] : memref<10240x128xf32, #tpu.memory_space<vmem_shared>> -> memref<16x128xf32, #tpu.memory_space<vmem_shared>>
        %dma_start3A_187 = arith.constant 0 : i32
        %dma_start3A_188 = tpu.memref_slice %arg11[%add3A_78, %dma_start3A_187] : memref<10240x128xf32, #tpu.memory_space<vmem_shared>> -> memref<16x128xf32, #tpu.memory_space<vmem_shared>>
        tpu.enqueue_dma source(%arg21 : memref<16x128xf32, #tpu.memory_space<vmem>>) target(%dma_start3A_188 : memref<16x128xf32, #tpu.memory_space<vmem_shared>>) target_semaphore(%run_scoped3A : memref<!tpu.dma_semaphore, #tpu.memory_space<semaphore_mem>>)
        %dma_wait3A = arith.constant 0 : i32
        %dma_wait3A_189 = tpu.memref_slice %arg11[%add3A_78, %dma_wait3A] : memref<10240x128xf32, #tpu.memory_space<vmem_shared>> -> memref<16x128xf32, #tpu.memory_space<vmem_shared>>
        %dma_wait3A_190 = arith.constant 0 : i32
        %dma_wait3A_191 = tpu.memref_slice %arg11[%add3A_78, %dma_wait3A_190] : memref<10240x128xf32, #tpu.memory_space<vmem_shared>> -> memref<16x128xf32, #tpu.memory_space<vmem_shared>>
        tpu.wait_dma2 semaphore(%run_scoped3A : memref<!tpu.dma_semaphore, #tpu.memory_space<semaphore_mem>>) src(%arg21 : memref<16x128xf32, #tpu.memory_space<vmem>>) dst(%dma_wait3A_191 : memref<16x128xf32, #tpu.memory_space<vmem_shared>>)
        tpu.yield
      }) : () -> ()
      %mul3A_79 = arith.constant 640 : i32
      %mul3A_80 = arith.muli %arg1, %mul3A_79 : i32
      %add3A_81 = arith.constant 256 : i32
      %add3A_82 = arith.addi %mul3A_80, %add3A_81 : i32
      "tpu.region"() ({
        %run_scoped3A = tpu.sem_alloc : memref<!tpu.dma_semaphore, #tpu.memory_space<semaphore_mem>>
        %dma_start3A = arith.constant 0 : i32
        %dma_start3A_186 = tpu.memref_slice %arg11[%add3A_82, %dma_start3A] : memref<10240x128xf32, #tpu.memory_space<vmem_shared>> -> memref<16x128xf32, #tpu.memory_space<vmem_shared>>
        %dma_start3A_187 = arith.constant 0 : i32
        %dma_start3A_188 = tpu.memref_slice %arg11[%add3A_82, %dma_start3A_187] : memref<10240x128xf32, #tpu.memory_space<vmem_shared>> -> memref<16x128xf32, #tpu.memory_space<vmem_shared>>
        tpu.enqueue_dma source(%arg21 : memref<16x128xf32, #tpu.memory_space<vmem>>) target(%dma_start3A_188 : memref<16x128xf32, #tpu.memory_space<vmem_shared>>) target_semaphore(%run_scoped3A : memref<!tpu.dma_semaphore, #tpu.memory_space<semaphore_mem>>)
        %dma_wait3A = arith.constant 0 : i32
        %dma_wait3A_189 = tpu.memref_slice %arg11[%add3A_82, %dma_wait3A] : memref<10240x128xf32, #tpu.memory_space<vmem_shared>> -> memref<16x128xf32, #tpu.memory_space<vmem_shared>>
        %dma_wait3A_190 = arith.constant 0 : i32
        %dma_wait3A_191 = tpu.memref_slice %arg11[%add3A_82, %dma_wait3A_190] : memref<10240x128xf32, #tpu.memory_space<vmem_shared>> -> memref<16x128xf32, #tpu.memory_space<vmem_shared>>
        tpu.wait_dma2 semaphore(%run_scoped3A : memref<!tpu.dma_semaphore, #tpu.memory_space<semaphore_mem>>) src(%arg21 : memref<16x128xf32, #tpu.memory_space<vmem>>) dst(%dma_wait3A_191 : memref<16x128xf32, #tpu.memory_space<vmem_shared>>)
        tpu.yield
      }) : () -> ()
      %mul3A_83 = arith.constant 640 : i32
      %mul3A_84 = arith.muli %arg1, %mul3A_83 : i32
      %add3A_85 = arith.constant 272 : i32
      %add3A_86 = arith.addi %mul3A_84, %add3A_85 : i32
      "tpu.region"() ({
        %run_scoped3A = tpu.sem_alloc : memref<!tpu.dma_semaphore, #tpu.memory_space<semaphore_mem>>
        %dma_start3A = arith.constant 0 : i32
        %dma_start3A_186 = tpu.memref_slice %arg11[%add3A_86, %dma_start3A] : memref<10240x128xf32, #tpu.memory_space<vmem_shared>> -> memref<16x128xf32, #tpu.memory_space<vmem_shared>>
        %dma_start3A_187 = arith.constant 0 : i32
        %dma_start3A_188 = tpu.memref_slice %arg11[%add3A_86, %dma_start3A_187] : memref<10240x128xf32, #tpu.memory_space<vmem_shared>> -> memref<16x128xf32, #tpu.memory_space<vmem_shared>>
        tpu.enqueue_dma source(%arg21 : memref<16x128xf32, #tpu.memory_space<vmem>>) target(%dma_start3A_188 : memref<16x128xf32, #tpu.memory_space<vmem_shared>>) target_semaphore(%run_scoped3A : memref<!tpu.dma_semaphore, #tpu.memory_space<semaphore_mem>>)
        %dma_wait3A = arith.constant 0 : i32
        %dma_wait3A_189 = tpu.memref_slice %arg11[%add3A_86, %dma_wait3A] : memref<10240x128xf32, #tpu.memory_space<vmem_shared>> -> memref<16x128xf32, #tpu.memory_space<vmem_shared>>
        %dma_wait3A_190 = arith.constant 0 : i32
        %dma_wait3A_191 = tpu.memref_slice %arg11[%add3A_86, %dma_wait3A_190] : memref<10240x128xf32, #tpu.memory_space<vmem_shared>> -> memref<16x128xf32, #tpu.memory_space<vmem_shared>>
        tpu.wait_dma2 semaphore(%run_scoped3A : memref<!tpu.dma_semaphore, #tpu.memory_space<semaphore_mem>>) src(%arg21 : memref<16x128xf32, #tpu.memory_space<vmem>>) dst(%dma_wait3A_191 : memref<16x128xf32, #tpu.memory_space<vmem_shared>>)
        tpu.yield
      }) : () -> ()
      %mul3A_87 = arith.constant 640 : i32
      %mul3A_88 = arith.muli %arg1, %mul3A_87 : i32
      %add3A_89 = arith.constant 288 : i32
      %add3A_90 = arith.addi %mul3A_88, %add3A_89 : i32
      "tpu.region"() ({
        %run_scoped3A = tpu.sem_alloc : memref<!tpu.dma_semaphore, #tpu.memory_space<semaphore_mem>>
        %dma_start3A = arith.constant 0 : i32
        %dma_start3A_186 = tpu.memref_slice %arg11[%add3A_90, %dma_start3A] : memref<10240x128xf32, #tpu.memory_space<vmem_shared>> -> memref<16x128xf32, #tpu.memory_space<vmem_shared>>
        %dma_start3A_187 = arith.constant 0 : i32
        %dma_start3A_188 = tpu.memref_slice %arg11[%add3A_90, %dma_start3A_187] : memref<10240x128xf32, #tpu.memory_space<vmem_shared>> -> memref<16x128xf32, #tpu.memory_space<vmem_shared>>
        tpu.enqueue_dma source(%arg21 : memref<16x128xf32, #tpu.memory_space<vmem>>) target(%dma_start3A_188 : memref<16x128xf32, #tpu.memory_space<vmem_shared>>) target_semaphore(%run_scoped3A : memref<!tpu.dma_semaphore, #tpu.memory_space<semaphore_mem>>)
        %dma_wait3A = arith.constant 0 : i32
        %dma_wait3A_189 = tpu.memref_slice %arg11[%add3A_90, %dma_wait3A] : memref<10240x128xf32, #tpu.memory_space<vmem_shared>> -> memref<16x128xf32, #tpu.memory_space<vmem_shared>>
        %dma_wait3A_190 = arith.constant 0 : i32
        %dma_wait3A_191 = tpu.memref_slice %arg11[%add3A_90, %dma_wait3A_190] : memref<10240x128xf32, #tpu.memory_space<vmem_shared>> -> memref<16x128xf32, #tpu.memory_space<vmem_shared>>
        tpu.wait_dma2 semaphore(%run_scoped3A : memref<!tpu.dma_semaphore, #tpu.memory_space<semaphore_mem>>) src(%arg21 : memref<16x128xf32, #tpu.memory_space<vmem>>) dst(%dma_wait3A_191 : memref<16x128xf32, #tpu.memory_space<vmem_shared>>)
        tpu.yield
      }) : () -> ()
      %mul3A_91 = arith.constant 640 : i32
      %mul3A_92 = arith.muli %arg1, %mul3A_91 : i32
      %add3A_93 = arith.constant 304 : i32
      %add3A_94 = arith.addi %mul3A_92, %add3A_93 : i32
      "tpu.region"() ({
        %run_scoped3A = tpu.sem_alloc : memref<!tpu.dma_semaphore, #tpu.memory_space<semaphore_mem>>
        %dma_start3A = arith.constant 0 : i32
        %dma_start3A_186 = tpu.memref_slice %arg11[%add3A_94, %dma_start3A] : memref<10240x128xf32, #tpu.memory_space<vmem_shared>> -> memref<16x128xf32, #tpu.memory_space<vmem_shared>>
        %dma_start3A_187 = arith.constant 0 : i32
        %dma_start3A_188 = tpu.memref_slice %arg11[%add3A_94, %dma_start3A_187] : memref<10240x128xf32, #tpu.memory_space<vmem_shared>> -> memref<16x128xf32, #tpu.memory_space<vmem_shared>>
        tpu.enqueue_dma source(%arg21 : memref<16x128xf32, #tpu.memory_space<vmem>>) target(%dma_start3A_188 : memref<16x128xf32, #tpu.memory_space<vmem_shared>>) target_semaphore(%run_scoped3A : memref<!tpu.dma_semaphore, #tpu.memory_space<semaphore_mem>>)
        %dma_wait3A = arith.constant 0 : i32
        %dma_wait3A_189 = tpu.memref_slice %arg11[%add3A_94, %dma_wait3A] : memref<10240x128xf32, #tpu.memory_space<vmem_shared>> -> memref<16x128xf32, #tpu.memory_space<vmem_shared>>
        %dma_wait3A_190 = arith.constant 0 : i32
        %dma_wait3A_191 = tpu.memref_slice %arg11[%add3A_94, %dma_wait3A_190] : memref<10240x128xf32, #tpu.memory_space<vmem_shared>> -> memref<16x128xf32, #tpu.memory_space<vmem_shared>>
        tpu.wait_dma2 semaphore(%run_scoped3A : memref<!tpu.dma_semaphore, #tpu.memory_space<semaphore_mem>>) src(%arg21 : memref<16x128xf32, #tpu.memory_space<vmem>>) dst(%dma_wait3A_191 : memref<16x128xf32, #tpu.memory_space<vmem_shared>>)
        tpu.yield
      }) : () -> ()
      %mul3A_95 = arith.constant 640 : i32
      %mul3A_96 = arith.muli %arg1, %mul3A_95 : i32
      %add3A_97 = arith.constant 320 : i32
      %add3A_98 = arith.addi %mul3A_96, %add3A_97 : i32
      "tpu.region"() ({
        %run_scoped3A = tpu.sem_alloc : memref<!tpu.dma_semaphore, #tpu.memory_space<semaphore_mem>>
        %dma_start3A = arith.constant 0 : i32
        %dma_start3A_186 = tpu.memref_slice %arg11[%add3A_98, %dma_start3A] : memref<10240x128xf32, #tpu.memory_space<vmem_shared>> -> memref<16x128xf32, #tpu.memory_space<vmem_shared>>
        %dma_start3A_187 = arith.constant 0 : i32
        %dma_start3A_188 = tpu.memref_slice %arg11[%add3A_98, %dma_start3A_187] : memref<10240x128xf32, #tpu.memory_space<vmem_shared>> -> memref<16x128xf32, #tpu.memory_space<vmem_shared>>
        tpu.enqueue_dma source(%arg21 : memref<16x128xf32, #tpu.memory_space<vmem>>) target(%dma_start3A_188 : memref<16x128xf32, #tpu.memory_space<vmem_shared>>) target_semaphore(%run_scoped3A : memref<!tpu.dma_semaphore, #tpu.memory_space<semaphore_mem>>)
        %dma_wait3A = arith.constant 0 : i32
        %dma_wait3A_189 = tpu.memref_slice %arg11[%add3A_98, %dma_wait3A] : memref<10240x128xf32, #tpu.memory_space<vmem_shared>> -> memref<16x128xf32, #tpu.memory_space<vmem_shared>>
        %dma_wait3A_190 = arith.constant 0 : i32
        %dma_wait3A_191 = tpu.memref_slice %arg11[%add3A_98, %dma_wait3A_190] : memref<10240x128xf32, #tpu.memory_space<vmem_shared>> -> memref<16x128xf32, #tpu.memory_space<vmem_shared>>
        tpu.wait_dma2 semaphore(%run_scoped3A : memref<!tpu.dma_semaphore, #tpu.memory_space<semaphore_mem>>) src(%arg21 : memref<16x128xf32, #tpu.memory_space<vmem>>) dst(%dma_wait3A_191 : memref<16x128xf32, #tpu.memory_space<vmem_shared>>)
        tpu.yield
      }) : () -> ()
      %mul3A_99 = arith.constant 640 : i32
      %mul3A_100 = arith.muli %arg1, %mul3A_99 : i32
      %add3A_101 = arith.constant 336 : i32
      %add3A_102 = arith.addi %mul3A_100, %add3A_101 : i32
      "tpu.region"() ({
        %run_scoped3A = tpu.sem_alloc : memref<!tpu.dma_semaphore, #tpu.memory_space<semaphore_mem>>
        %dma_start3A = arith.constant 0 : i32
        %dma_start3A_186 = tpu.memref_slice %arg11[%add3A_102, %dma_start3A] : memref<10240x128xf32, #tpu.memory_space<vmem_shared>> -> memref<16x128xf32, #tpu.memory_space<vmem_shared>>
        %dma_start3A_187 = arith.constant 0 : i32
        %dma_start3A_188 = tpu.memref_slice %arg11[%add3A_102, %dma_start3A_187] : memref<10240x128xf32, #tpu.memory_space<vmem_shared>> -> memref<16x128xf32, #tpu.memory_space<vmem_shared>>
        tpu.enqueue_dma source(%arg21 : memref<16x128xf32, #tpu.memory_space<vmem>>) target(%dma_start3A_188 : memref<16x128xf32, #tpu.memory_space<vmem_shared>>) target_semaphore(%run_scoped3A : memref<!tpu.dma_semaphore, #tpu.memory_space<semaphore_mem>>)
        %dma_wait3A = arith.constant 0 : i32
        %dma_wait3A_189 = tpu.memref_slice %arg11[%add3A_102, %dma_wait3A] : memref<10240x128xf32, #tpu.memory_space<vmem_shared>> -> memref<16x128xf32, #tpu.memory_space<vmem_shared>>
        %dma_wait3A_190 = arith.constant 0 : i32
        %dma_wait3A_191 = tpu.memref_slice %arg11[%add3A_102, %dma_wait3A_190] : memref<10240x128xf32, #tpu.memory_space<vmem_shared>> -> memref<16x128xf32, #tpu.memory_space<vmem_shared>>
        tpu.wait_dma2 semaphore(%run_scoped3A : memref<!tpu.dma_semaphore, #tpu.memory_space<semaphore_mem>>) src(%arg21 : memref<16x128xf32, #tpu.memory_space<vmem>>) dst(%dma_wait3A_191 : memref<16x128xf32, #tpu.memory_space<vmem_shared>>)
        tpu.yield
      }) : () -> ()
      %mul3A_103 = arith.constant 640 : i32
      %mul3A_104 = arith.muli %arg1, %mul3A_103 : i32
      %add3A_105 = arith.constant 352 : i32
      %add3A_106 = arith.addi %mul3A_104, %add3A_105 : i32
      "tpu.region"() ({
        %run_scoped3A = tpu.sem_alloc : memref<!tpu.dma_semaphore, #tpu.memory_space<semaphore_mem>>
        %dma_start3A = arith.constant 0 : i32
        %dma_start3A_186 = tpu.memref_slice %arg11[%add3A_106, %dma_start3A] : memref<10240x128xf32, #tpu.memory_space<vmem_shared>> -> memref<16x128xf32, #tpu.memory_space<vmem_shared>>
        %dma_start3A_187 = arith.constant 0 : i32
        %dma_start3A_188 = tpu.memref_slice %arg11[%add3A_106, %dma_start3A_187] : memref<10240x128xf32, #tpu.memory_space<vmem_shared>> -> memref<16x128xf32, #tpu.memory_space<vmem_shared>>
        tpu.enqueue_dma source(%arg21 : memref<16x128xf32, #tpu.memory_space<vmem>>) target(%dma_start3A_188 : memref<16x128xf32, #tpu.memory_space<vmem_shared>>) target_semaphore(%run_scoped3A : memref<!tpu.dma_semaphore, #tpu.memory_space<semaphore_mem>>)
        %dma_wait3A = arith.constant 0 : i32
        %dma_wait3A_189 = tpu.memref_slice %arg11[%add3A_106, %dma_wait3A] : memref<10240x128xf32, #tpu.memory_space<vmem_shared>> -> memref<16x128xf32, #tpu.memory_space<vmem_shared>>
        %dma_wait3A_190 = arith.constant 0 : i32
        %dma_wait3A_191 = tpu.memref_slice %arg11[%add3A_106, %dma_wait3A_190] : memref<10240x128xf32, #tpu.memory_space<vmem_shared>> -> memref<16x128xf32, #tpu.memory_space<vmem_shared>>
        tpu.wait_dma2 semaphore(%run_scoped3A : memref<!tpu.dma_semaphore, #tpu.memory_space<semaphore_mem>>) src(%arg21 : memref<16x128xf32, #tpu.memory_space<vmem>>) dst(%dma_wait3A_191 : memref<16x128xf32, #tpu.memory_space<vmem_shared>>)
        tpu.yield
      }) : () -> ()
      %mul3A_107 = arith.constant 640 : i32
      %mul3A_108 = arith.muli %arg1, %mul3A_107 : i32
      %add3A_109 = arith.constant 368 : i32
      %add3A_110 = arith.addi %mul3A_108, %add3A_109 : i32
      "tpu.region"() ({
        %run_scoped3A = tpu.sem_alloc : memref<!tpu.dma_semaphore, #tpu.memory_space<semaphore_mem>>
        %dma_start3A = arith.constant 0 : i32
        %dma_start3A_186 = tpu.memref_slice %arg11[%add3A_110, %dma_start3A] : memref<10240x128xf32, #tpu.memory_space<vmem_shared>> -> memref<16x128xf32, #tpu.memory_space<vmem_shared>>
        %dma_start3A_187 = arith.constant 0 : i32
        %dma_start3A_188 = tpu.memref_slice %arg11[%add3A_110, %dma_start3A_187] : memref<10240x128xf32, #tpu.memory_space<vmem_shared>> -> memref<16x128xf32, #tpu.memory_space<vmem_shared>>
        tpu.enqueue_dma source(%arg21 : memref<16x128xf32, #tpu.memory_space<vmem>>) target(%dma_start3A_188 : memref<16x128xf32, #tpu.memory_space<vmem_shared>>) target_semaphore(%run_scoped3A : memref<!tpu.dma_semaphore, #tpu.memory_space<semaphore_mem>>)
        %dma_wait3A = arith.constant 0 : i32
        %dma_wait3A_189 = tpu.memref_slice %arg11[%add3A_110, %dma_wait3A] : memref<10240x128xf32, #tpu.memory_space<vmem_shared>> -> memref<16x128xf32, #tpu.memory_space<vmem_shared>>
        %dma_wait3A_190 = arith.constant 0 : i32
        %dma_wait3A_191 = tpu.memref_slice %arg11[%add3A_110, %dma_wait3A_190] : memref<10240x128xf32, #tpu.memory_space<vmem_shared>> -> memref<16x128xf32, #tpu.memory_space<vmem_shared>>
        tpu.wait_dma2 semaphore(%run_scoped3A : memref<!tpu.dma_semaphore, #tpu.memory_space<semaphore_mem>>) src(%arg21 : memref<16x128xf32, #tpu.memory_space<vmem>>) dst(%dma_wait3A_191 : memref<16x128xf32, #tpu.memory_space<vmem_shared>>)
        tpu.yield
      }) : () -> ()
      %mul3A_111 = arith.constant 640 : i32
      %mul3A_112 = arith.muli %arg1, %mul3A_111 : i32
      %add3A_113 = arith.constant 384 : i32
      %add3A_114 = arith.addi %mul3A_112, %add3A_113 : i32
      "tpu.region"() ({
        %run_scoped3A = tpu.sem_alloc : memref<!tpu.dma_semaphore, #tpu.memory_space<semaphore_mem>>
        %dma_start3A = arith.constant 0 : i32
        %dma_start3A_186 = tpu.memref_slice %arg11[%add3A_114, %dma_start3A] : memref<10240x128xf32, #tpu.memory_space<vmem_shared>> -> memref<16x128xf32, #tpu.memory_space<vmem_shared>>
        %dma_start3A_187 = arith.constant 0 : i32
        %dma_start3A_188 = tpu.memref_slice %arg11[%add3A_114, %dma_start3A_187] : memref<10240x128xf32, #tpu.memory_space<vmem_shared>> -> memref<16x128xf32, #tpu.memory_space<vmem_shared>>
        tpu.enqueue_dma source(%arg21 : memref<16x128xf32, #tpu.memory_space<vmem>>) target(%dma_start3A_188 : memref<16x128xf32, #tpu.memory_space<vmem_shared>>) target_semaphore(%run_scoped3A : memref<!tpu.dma_semaphore, #tpu.memory_space<semaphore_mem>>)
        %dma_wait3A = arith.constant 0 : i32
        %dma_wait3A_189 = tpu.memref_slice %arg11[%add3A_114, %dma_wait3A] : memref<10240x128xf32, #tpu.memory_space<vmem_shared>> -> memref<16x128xf32, #tpu.memory_space<vmem_shared>>
        %dma_wait3A_190 = arith.constant 0 : i32
        %dma_wait3A_191 = tpu.memref_slice %arg11[%add3A_114, %dma_wait3A_190] : memref<10240x128xf32, #tpu.memory_space<vmem_shared>> -> memref<16x128xf32, #tpu.memory_space<vmem_shared>>
        tpu.wait_dma2 semaphore(%run_scoped3A : memref<!tpu.dma_semaphore, #tpu.memory_space<semaphore_mem>>) src(%arg21 : memref<16x128xf32, #tpu.memory_space<vmem>>) dst(%dma_wait3A_191 : memref<16x128xf32, #tpu.memory_space<vmem_shared>>)
        tpu.yield
      }) : () -> ()
      %mul3A_115 = arith.constant 640 : i32
      %mul3A_116 = arith.muli %arg1, %mul3A_115 : i32
      %add3A_117 = arith.constant 400 : i32
      %add3A_118 = arith.addi %mul3A_116, %add3A_117 : i32
      "tpu.region"() ({
        %run_scoped3A = tpu.sem_alloc : memref<!tpu.dma_semaphore, #tpu.memory_space<semaphore_mem>>
        %dma_start3A = arith.constant 0 : i32
        %dma_start3A_186 = tpu.memref_slice %arg11[%add3A_118, %dma_start3A] : memref<10240x128xf32, #tpu.memory_space<vmem_shared>> -> memref<16x128xf32, #tpu.memory_space<vmem_shared>>
        %dma_start3A_187 = arith.constant 0 : i32
        %dma_start3A_188 = tpu.memref_slice %arg11[%add3A_118, %dma_start3A_187] : memref<10240x128xf32, #tpu.memory_space<vmem_shared>> -> memref<16x128xf32, #tpu.memory_space<vmem_shared>>
        tpu.enqueue_dma source(%arg21 : memref<16x128xf32, #tpu.memory_space<vmem>>) target(%dma_start3A_188 : memref<16x128xf32, #tpu.memory_space<vmem_shared>>) target_semaphore(%run_scoped3A : memref<!tpu.dma_semaphore, #tpu.memory_space<semaphore_mem>>)
        %dma_wait3A = arith.constant 0 : i32
        %dma_wait3A_189 = tpu.memref_slice %arg11[%add3A_118, %dma_wait3A] : memref<10240x128xf32, #tpu.memory_space<vmem_shared>> -> memref<16x128xf32, #tpu.memory_space<vmem_shared>>
        %dma_wait3A_190 = arith.constant 0 : i32
        %dma_wait3A_191 = tpu.memref_slice %arg11[%add3A_118, %dma_wait3A_190] : memref<10240x128xf32, #tpu.memory_space<vmem_shared>> -> memref<16x128xf32, #tpu.memory_space<vmem_shared>>
        tpu.wait_dma2 semaphore(%run_scoped3A : memref<!tpu.dma_semaphore, #tpu.memory_space<semaphore_mem>>) src(%arg21 : memref<16x128xf32, #tpu.memory_space<vmem>>) dst(%dma_wait3A_191 : memref<16x128xf32, #tpu.memory_space<vmem_shared>>)
        tpu.yield
      }) : () -> ()
      %mul3A_119 = arith.constant 640 : i32
      %mul3A_120 = arith.muli %arg1, %mul3A_119 : i32
      %add3A_121 = arith.constant 416 : i32
      %add3A_122 = arith.addi %mul3A_120, %add3A_121 : i32
      "tpu.region"() ({
        %run_scoped3A = tpu.sem_alloc : memref<!tpu.dma_semaphore, #tpu.memory_space<semaphore_mem>>
        %dma_start3A = arith.constant 0 : i32
        %dma_start3A_186 = tpu.memref_slice %arg11[%add3A_122, %dma_start3A] : memref<10240x128xf32, #tpu.memory_space<vmem_shared>> -> memref<16x128xf32, #tpu.memory_space<vmem_shared>>
        %dma_start3A_187 = arith.constant 0 : i32
        %dma_start3A_188 = tpu.memref_slice %arg11[%add3A_122, %dma_start3A_187] : memref<10240x128xf32, #tpu.memory_space<vmem_shared>> -> memref<16x128xf32, #tpu.memory_space<vmem_shared>>
        tpu.enqueue_dma source(%arg21 : memref<16x128xf32, #tpu.memory_space<vmem>>) target(%dma_start3A_188 : memref<16x128xf32, #tpu.memory_space<vmem_shared>>) target_semaphore(%run_scoped3A : memref<!tpu.dma_semaphore, #tpu.memory_space<semaphore_mem>>)
        %dma_wait3A = arith.constant 0 : i32
        %dma_wait3A_189 = tpu.memref_slice %arg11[%add3A_122, %dma_wait3A] : memref<10240x128xf32, #tpu.memory_space<vmem_shared>> -> memref<16x128xf32, #tpu.memory_space<vmem_shared>>
        %dma_wait3A_190 = arith.constant 0 : i32
        %dma_wait3A_191 = tpu.memref_slice %arg11[%add3A_122, %dma_wait3A_190] : memref<10240x128xf32, #tpu.memory_space<vmem_shared>> -> memref<16x128xf32, #tpu.memory_space<vmem_shared>>
        tpu.wait_dma2 semaphore(%run_scoped3A : memref<!tpu.dma_semaphore, #tpu.memory_space<semaphore_mem>>) src(%arg21 : memref<16x128xf32, #tpu.memory_space<vmem>>) dst(%dma_wait3A_191 : memref<16x128xf32, #tpu.memory_space<vmem_shared>>)
        tpu.yield
      }) : () -> ()
      %mul3A_123 = arith.constant 640 : i32
      %mul3A_124 = arith.muli %arg1, %mul3A_123 : i32
      %add3A_125 = arith.constant 432 : i32
      %add3A_126 = arith.addi %mul3A_124, %add3A_125 : i32
      "tpu.region"() ({
        %run_scoped3A = tpu.sem_alloc : memref<!tpu.dma_semaphore, #tpu.memory_space<semaphore_mem>>
        %dma_start3A = arith.constant 0 : i32
        %dma_start3A_186 = tpu.memref_slice %arg11[%add3A_126, %dma_start3A] : memref<10240x128xf32, #tpu.memory_space<vmem_shared>> -> memref<16x128xf32, #tpu.memory_space<vmem_shared>>
        %dma_start3A_187 = arith.constant 0 : i32
        %dma_start3A_188 = tpu.memref_slice %arg11[%add3A_126, %dma_start3A_187] : memref<10240x128xf32, #tpu.memory_space<vmem_shared>> -> memref<16x128xf32, #tpu.memory_space<vmem_shared>>
        tpu.enqueue_dma source(%arg21 : memref<16x128xf32, #tpu.memory_space<vmem>>) target(%dma_start3A_188 : memref<16x128xf32, #tpu.memory_space<vmem_shared>>) target_semaphore(%run_scoped3A : memref<!tpu.dma_semaphore, #tpu.memory_space<semaphore_mem>>)
        %dma_wait3A = arith.constant 0 : i32
        %dma_wait3A_189 = tpu.memref_slice %arg11[%add3A_126, %dma_wait3A] : memref<10240x128xf32, #tpu.memory_space<vmem_shared>> -> memref<16x128xf32, #tpu.memory_space<vmem_shared>>
        %dma_wait3A_190 = arith.constant 0 : i32
        %dma_wait3A_191 = tpu.memref_slice %arg11[%add3A_126, %dma_wait3A_190] : memref<10240x128xf32, #tpu.memory_space<vmem_shared>> -> memref<16x128xf32, #tpu.memory_space<vmem_shared>>
        tpu.wait_dma2 semaphore(%run_scoped3A : memref<!tpu.dma_semaphore, #tpu.memory_space<semaphore_mem>>) src(%arg21 : memref<16x128xf32, #tpu.memory_space<vmem>>) dst(%dma_wait3A_191 : memref<16x128xf32, #tpu.memory_space<vmem_shared>>)
        tpu.yield
      }) : () -> ()
      %mul3A_127 = arith.constant 640 : i32
      %mul3A_128 = arith.muli %arg1, %mul3A_127 : i32
      %add3A_129 = arith.constant 448 : i32
      %add3A_130 = arith.addi %mul3A_128, %add3A_129 : i32
      "tpu.region"() ({
        %run_scoped3A = tpu.sem_alloc : memref<!tpu.dma_semaphore, #tpu.memory_space<semaphore_mem>>
        %dma_start3A = arith.constant 0 : i32
        %dma_start3A_186 = tpu.memref_slice %arg11[%add3A_130, %dma_start3A] : memref<10240x128xf32, #tpu.memory_space<vmem_shared>> -> memref<16x128xf32, #tpu.memory_space<vmem_shared>>
        %dma_start3A_187 = arith.constant 0 : i32
        %dma_start3A_188 = tpu.memref_slice %arg11[%add3A_130, %dma_start3A_187] : memref<10240x128xf32, #tpu.memory_space<vmem_shared>> -> memref<16x128xf32, #tpu.memory_space<vmem_shared>>
        tpu.enqueue_dma source(%arg21 : memref<16x128xf32, #tpu.memory_space<vmem>>) target(%dma_start3A_188 : memref<16x128xf32, #tpu.memory_space<vmem_shared>>) target_semaphore(%run_scoped3A : memref<!tpu.dma_semaphore, #tpu.memory_space<semaphore_mem>>)
        %dma_wait3A = arith.constant 0 : i32
        %dma_wait3A_189 = tpu.memref_slice %arg11[%add3A_130, %dma_wait3A] : memref<10240x128xf32, #tpu.memory_space<vmem_shared>> -> memref<16x128xf32, #tpu.memory_space<vmem_shared>>
        %dma_wait3A_190 = arith.constant 0 : i32
        %dma_wait3A_191 = tpu.memref_slice %arg11[%add3A_130, %dma_wait3A_190] : memref<10240x128xf32, #tpu.memory_space<vmem_shared>> -> memref<16x128xf32, #tpu.memory_space<vmem_shared>>
        tpu.wait_dma2 semaphore(%run_scoped3A : memref<!tpu.dma_semaphore, #tpu.memory_space<semaphore_mem>>) src(%arg21 : memref<16x128xf32, #tpu.memory_space<vmem>>) dst(%dma_wait3A_191 : memref<16x128xf32, #tpu.memory_space<vmem_shared>>)
        tpu.yield
      }) : () -> ()
      %mul3A_131 = arith.constant 640 : i32
      %mul3A_132 = arith.muli %arg1, %mul3A_131 : i32
      %add3A_133 = arith.constant 464 : i32
      %add3A_134 = arith.addi %mul3A_132, %add3A_133 : i32
      "tpu.region"() ({
        %run_scoped3A = tpu.sem_alloc : memref<!tpu.dma_semaphore, #tpu.memory_space<semaphore_mem>>
        %dma_start3A = arith.constant 0 : i32
        %dma_start3A_186 = tpu.memref_slice %arg11[%add3A_134, %dma_start3A] : memref<10240x128xf32, #tpu.memory_space<vmem_shared>> -> memref<16x128xf32, #tpu.memory_space<vmem_shared>>
        %dma_start3A_187 = arith.constant 0 : i32
        %dma_start3A_188 = tpu.memref_slice %arg11[%add3A_134, %dma_start3A_187] : memref<10240x128xf32, #tpu.memory_space<vmem_shared>> -> memref<16x128xf32, #tpu.memory_space<vmem_shared>>
        tpu.enqueue_dma source(%arg21 : memref<16x128xf32, #tpu.memory_space<vmem>>) target(%dma_start3A_188 : memref<16x128xf32, #tpu.memory_space<vmem_shared>>) target_semaphore(%run_scoped3A : memref<!tpu.dma_semaphore, #tpu.memory_space<semaphore_mem>>)
        %dma_wait3A = arith.constant 0 : i32
        %dma_wait3A_189 = tpu.memref_slice %arg11[%add3A_134, %dma_wait3A] : memref<10240x128xf32, #tpu.memory_space<vmem_shared>> -> memref<16x128xf32, #tpu.memory_space<vmem_shared>>
        %dma_wait3A_190 = arith.constant 0 : i32
        %dma_wait3A_191 = tpu.memref_slice %arg11[%add3A_134, %dma_wait3A_190] : memref<10240x128xf32, #tpu.memory_space<vmem_shared>> -> memref<16x128xf32, #tpu.memory_space<vmem_shared>>
        tpu.wait_dma2 semaphore(%run_scoped3A : memref<!tpu.dma_semaphore, #tpu.memory_space<semaphore_mem>>) src(%arg21 : memref<16x128xf32, #tpu.memory_space<vmem>>) dst(%dma_wait3A_191 : memref<16x128xf32, #tpu.memory_space<vmem_shared>>)
        tpu.yield
      }) : () -> ()
      %mul3A_135 = arith.constant 640 : i32
      %mul3A_136 = arith.muli %arg1, %mul3A_135 : i32
      %add3A_137 = arith.constant 480 : i32
      %add3A_138 = arith.addi %mul3A_136, %add3A_137 : i32
      "tpu.region"() ({
        %run_scoped3A = tpu.sem_alloc : memref<!tpu.dma_semaphore, #tpu.memory_space<semaphore_mem>>
        %dma_start3A = arith.constant 0 : i32
        %dma_start3A_186 = tpu.memref_slice %arg11[%add3A_138, %dma_start3A] : memref<10240x128xf32, #tpu.memory_space<vmem_shared>> -> memref<16x128xf32, #tpu.memory_space<vmem_shared>>
        %dma_start3A_187 = arith.constant 0 : i32
        %dma_start3A_188 = tpu.memref_slice %arg11[%add3A_138, %dma_start3A_187] : memref<10240x128xf32, #tpu.memory_space<vmem_shared>> -> memref<16x128xf32, #tpu.memory_space<vmem_shared>>
        tpu.enqueue_dma source(%arg21 : memref<16x128xf32, #tpu.memory_space<vmem>>) target(%dma_start3A_188 : memref<16x128xf32, #tpu.memory_space<vmem_shared>>) target_semaphore(%run_scoped3A : memref<!tpu.dma_semaphore, #tpu.memory_space<semaphore_mem>>)
        %dma_wait3A = arith.constant 0 : i32
        %dma_wait3A_189 = tpu.memref_slice %arg11[%add3A_138, %dma_wait3A] : memref<10240x128xf32, #tpu.memory_space<vmem_shared>> -> memref<16x128xf32, #tpu.memory_space<vmem_shared>>
        %dma_wait3A_190 = arith.constant 0 : i32
        %dma_wait3A_191 = tpu.memref_slice %arg11[%add3A_138, %dma_wait3A_190] : memref<10240x128xf32, #tpu.memory_space<vmem_shared>> -> memref<16x128xf32, #tpu.memory_space<vmem_shared>>
        tpu.wait_dma2 semaphore(%run_scoped3A : memref<!tpu.dma_semaphore, #tpu.memory_space<semaphore_mem>>) src(%arg21 : memref<16x128xf32, #tpu.memory_space<vmem>>) dst(%dma_wait3A_191 : memref<16x128xf32, #tpu.memory_space<vmem_shared>>)
        tpu.yield
      }) : () -> ()
      %mul3A_139 = arith.constant 640 : i32
      %mul3A_140 = arith.muli %arg1, %mul3A_139 : i32
      %add3A_141 = arith.constant 496 : i32
      %add3A_142 = arith.addi %mul3A_140, %add3A_141 : i32
      "tpu.region"() ({
        %run_scoped3A = tpu.sem_alloc : memref<!tpu.dma_semaphore, #tpu.memory_space<semaphore_mem>>
        %dma_start3A = arith.constant 0 : i32
        %dma_start3A_186 = tpu.memref_slice %arg11[%add3A_142, %dma_start3A] : memref<10240x128xf32, #tpu.memory_space<vmem_shared>> -> memref<16x128xf32, #tpu.memory_space<vmem_shared>>
        %dma_start3A_187 = arith.constant 0 : i32
        %dma_start3A_188 = tpu.memref_slice %arg11[%add3A_142, %dma_start3A_187] : memref<10240x128xf32, #tpu.memory_space<vmem_shared>> -> memref<16x128xf32, #tpu.memory_space<vmem_shared>>
        tpu.enqueue_dma source(%arg21 : memref<16x128xf32, #tpu.memory_space<vmem>>) target(%dma_start3A_188 : memref<16x128xf32, #tpu.memory_space<vmem_shared>>) target_semaphore(%run_scoped3A : memref<!tpu.dma_semaphore, #tpu.memory_space<semaphore_mem>>)
        %dma_wait3A = arith.constant 0 : i32
        %dma_wait3A_189 = tpu.memref_slice %arg11[%add3A_142, %dma_wait3A] : memref<10240x128xf32, #tpu.memory_space<vmem_shared>> -> memref<16x128xf32, #tpu.memory_space<vmem_shared>>
        %dma_wait3A_190 = arith.constant 0 : i32
        %dma_wait3A_191 = tpu.memref_slice %arg11[%add3A_142, %dma_wait3A_190] : memref<10240x128xf32, #tpu.memory_space<vmem_shared>> -> memref<16x128xf32, #tpu.memory_space<vmem_shared>>
        tpu.wait_dma2 semaphore(%run_scoped3A : memref<!tpu.dma_semaphore, #tpu.memory_space<semaphore_mem>>) src(%arg21 : memref<16x128xf32, #tpu.memory_space<vmem>>) dst(%dma_wait3A_191 : memref<16x128xf32, #tpu.memory_space<vmem_shared>>)
        tpu.yield
      }) : () -> ()
      %mul3A_143 = arith.constant 640 : i32
      %mul3A_144 = arith.muli %arg1, %mul3A_143 : i32
      %add3A_145 = arith.constant 512 : i32
      %add3A_146 = arith.addi %mul3A_144, %add3A_145 : i32
      "tpu.region"() ({
        %run_scoped3A = tpu.sem_alloc : memref<!tpu.dma_semaphore, #tpu.memory_space<semaphore_mem>>
        %dma_start3A = arith.constant 0 : i32
        %dma_start3A_186 = tpu.memref_slice %arg11[%add3A_146, %dma_start3A] : memref<10240x128xf32, #tpu.memory_space<vmem_shared>> -> memref<16x128xf32, #tpu.memory_space<vmem_shared>>
        %dma_start3A_187 = arith.constant 0 : i32
        %dma_start3A_188 = tpu.memref_slice %arg11[%add3A_146, %dma_start3A_187] : memref<10240x128xf32, #tpu.memory_space<vmem_shared>> -> memref<16x128xf32, #tpu.memory_space<vmem_shared>>
        tpu.enqueue_dma source(%arg21 : memref<16x128xf32, #tpu.memory_space<vmem>>) target(%dma_start3A_188 : memref<16x128xf32, #tpu.memory_space<vmem_shared>>) target_semaphore(%run_scoped3A : memref<!tpu.dma_semaphore, #tpu.memory_space<semaphore_mem>>)
        %dma_wait3A = arith.constant 0 : i32
        %dma_wait3A_189 = tpu.memref_slice %arg11[%add3A_146, %dma_wait3A] : memref<10240x128xf32, #tpu.memory_space<vmem_shared>> -> memref<16x128xf32, #tpu.memory_space<vmem_shared>>
        %dma_wait3A_190 = arith.constant 0 : i32
        %dma_wait3A_191 = tpu.memref_slice %arg11[%add3A_146, %dma_wait3A_190] : memref<10240x128xf32, #tpu.memory_space<vmem_shared>> -> memref<16x128xf32, #tpu.memory_space<vmem_shared>>
        tpu.wait_dma2 semaphore(%run_scoped3A : memref<!tpu.dma_semaphore, #tpu.memory_space<semaphore_mem>>) src(%arg21 : memref<16x128xf32, #tpu.memory_space<vmem>>) dst(%dma_wait3A_191 : memref<16x128xf32, #tpu.memory_space<vmem_shared>>)
        tpu.yield
      }) : () -> ()
      %mul3A_147 = arith.constant 640 : i32
      %mul3A_148 = arith.muli %arg1, %mul3A_147 : i32
      %add3A_149 = arith.constant 528 : i32
      %add3A_150 = arith.addi %mul3A_148, %add3A_149 : i32
      "tpu.region"() ({
        %run_scoped3A = tpu.sem_alloc : memref<!tpu.dma_semaphore, #tpu.memory_space<semaphore_mem>>
        %dma_start3A = arith.constant 0 : i32
        %dma_start3A_186 = tpu.memref_slice %arg11[%add3A_150, %dma_start3A] : memref<10240x128xf32, #tpu.memory_space<vmem_shared>> -> memref<16x128xf32, #tpu.memory_space<vmem_shared>>
        %dma_start3A_187 = arith.constant 0 : i32
        %dma_start3A_188 = tpu.memref_slice %arg11[%add3A_150, %dma_start3A_187] : memref<10240x128xf32, #tpu.memory_space<vmem_shared>> -> memref<16x128xf32, #tpu.memory_space<vmem_shared>>
        tpu.enqueue_dma source(%arg21 : memref<16x128xf32, #tpu.memory_space<vmem>>) target(%dma_start3A_188 : memref<16x128xf32, #tpu.memory_space<vmem_shared>>) target_semaphore(%run_scoped3A : memref<!tpu.dma_semaphore, #tpu.memory_space<semaphore_mem>>)
        %dma_wait3A = arith.constant 0 : i32
        %dma_wait3A_189 = tpu.memref_slice %arg11[%add3A_150, %dma_wait3A] : memref<10240x128xf32, #tpu.memory_space<vmem_shared>> -> memref<16x128xf32, #tpu.memory_space<vmem_shared>>
        %dma_wait3A_190 = arith.constant 0 : i32
        %dma_wait3A_191 = tpu.memref_slice %arg11[%add3A_150, %dma_wait3A_190] : memref<10240x128xf32, #tpu.memory_space<vmem_shared>> -> memref<16x128xf32, #tpu.memory_space<vmem_shared>>
        tpu.wait_dma2 semaphore(%run_scoped3A : memref<!tpu.dma_semaphore, #tpu.memory_space<semaphore_mem>>) src(%arg21 : memref<16x128xf32, #tpu.memory_space<vmem>>) dst(%dma_wait3A_191 : memref<16x128xf32, #tpu.memory_space<vmem_shared>>)
        tpu.yield
      }) : () -> ()
      %mul3A_151 = arith.constant 640 : i32
      %mul3A_152 = arith.muli %arg1, %mul3A_151 : i32
      %add3A_153 = arith.constant 544 : i32
      %add3A_154 = arith.addi %mul3A_152, %add3A_153 : i32
      "tpu.region"() ({
        %run_scoped3A = tpu.sem_alloc : memref<!tpu.dma_semaphore, #tpu.memory_space<semaphore_mem>>
        %dma_start3A = arith.constant 0 : i32
        %dma_start3A_186 = tpu.memref_slice %arg11[%add3A_154, %dma_start3A] : memref<10240x128xf32, #tpu.memory_space<vmem_shared>> -> memref<16x128xf32, #tpu.memory_space<vmem_shared>>
        %dma_start3A_187 = arith.constant 0 : i32
        %dma_start3A_188 = tpu.memref_slice %arg11[%add3A_154, %dma_start3A_187] : memref<10240x128xf32, #tpu.memory_space<vmem_shared>> -> memref<16x128xf32, #tpu.memory_space<vmem_shared>>
        tpu.enqueue_dma source(%arg21 : memref<16x128xf32, #tpu.memory_space<vmem>>) target(%dma_start3A_188 : memref<16x128xf32, #tpu.memory_space<vmem_shared>>) target_semaphore(%run_scoped3A : memref<!tpu.dma_semaphore, #tpu.memory_space<semaphore_mem>>)
        %dma_wait3A = arith.constant 0 : i32
        %dma_wait3A_189 = tpu.memref_slice %arg11[%add3A_154, %dma_wait3A] : memref<10240x128xf32, #tpu.memory_space<vmem_shared>> -> memref<16x128xf32, #tpu.memory_space<vmem_shared>>
        %dma_wait3A_190 = arith.constant 0 : i32
        %dma_wait3A_191 = tpu.memref_slice %arg11[%add3A_154, %dma_wait3A_190] : memref<10240x128xf32, #tpu.memory_space<vmem_shared>> -> memref<16x128xf32, #tpu.memory_space<vmem_shared>>
        tpu.wait_dma2 semaphore(%run_scoped3A : memref<!tpu.dma_semaphore, #tpu.memory_space<semaphore_mem>>) src(%arg21 : memref<16x128xf32, #tpu.memory_space<vmem>>) dst(%dma_wait3A_191 : memref<16x128xf32, #tpu.memory_space<vmem_shared>>)
        tpu.yield
      }) : () -> ()
      %mul3A_155 = arith.constant 640 : i32
      %mul3A_156 = arith.muli %arg1, %mul3A_155 : i32
      %add3A_157 = arith.constant 560 : i32
      %add3A_158 = arith.addi %mul3A_156, %add3A_157 : i32
      "tpu.region"() ({
        %run_scoped3A = tpu.sem_alloc : memref<!tpu.dma_semaphore, #tpu.memory_space<semaphore_mem>>
        %dma_start3A = arith.constant 0 : i32
        %dma_start3A_186 = tpu.memref_slice %arg11[%add3A_158, %dma_start3A] : memref<10240x128xf32, #tpu.memory_space<vmem_shared>> -> memref<16x128xf32, #tpu.memory_space<vmem_shared>>
        %dma_start3A_187 = arith.constant 0 : i32
        %dma_start3A_188 = tpu.memref_slice %arg11[%add3A_158, %dma_start3A_187] : memref<10240x128xf32, #tpu.memory_space<vmem_shared>> -> memref<16x128xf32, #tpu.memory_space<vmem_shared>>
        tpu.enqueue_dma source(%arg21 : memref<16x128xf32, #tpu.memory_space<vmem>>) target(%dma_start3A_188 : memref<16x128xf32, #tpu.memory_space<vmem_shared>>) target_semaphore(%run_scoped3A : memref<!tpu.dma_semaphore, #tpu.memory_space<semaphore_mem>>)
        %dma_wait3A = arith.constant 0 : i32
        %dma_wait3A_189 = tpu.memref_slice %arg11[%add3A_158, %dma_wait3A] : memref<10240x128xf32, #tpu.memory_space<vmem_shared>> -> memref<16x128xf32, #tpu.memory_space<vmem_shared>>
        %dma_wait3A_190 = arith.constant 0 : i32
        %dma_wait3A_191 = tpu.memref_slice %arg11[%add3A_158, %dma_wait3A_190] : memref<10240x128xf32, #tpu.memory_space<vmem_shared>> -> memref<16x128xf32, #tpu.memory_space<vmem_shared>>
        tpu.wait_dma2 semaphore(%run_scoped3A : memref<!tpu.dma_semaphore, #tpu.memory_space<semaphore_mem>>) src(%arg21 : memref<16x128xf32, #tpu.memory_space<vmem>>) dst(%dma_wait3A_191 : memref<16x128xf32, #tpu.memory_space<vmem_shared>>)
        tpu.yield
      }) : () -> ()
      %mul3A_159 = arith.constant 640 : i32
      %mul3A_160 = arith.muli %arg1, %mul3A_159 : i32
      %add3A_161 = arith.constant 576 : i32
      %add3A_162 = arith.addi %mul3A_160, %add3A_161 : i32
      "tpu.region"() ({
        %run_scoped3A = tpu.sem_alloc : memref<!tpu.dma_semaphore, #tpu.memory_space<semaphore_mem>>
        %dma_start3A = arith.constant 0 : i32
        %dma_start3A_186 = tpu.memref_slice %arg11[%add3A_162, %dma_start3A] : memref<10240x128xf32, #tpu.memory_space<vmem_shared>> -> memref<16x128xf32, #tpu.memory_space<vmem_shared>>
        %dma_start3A_187 = arith.constant 0 : i32
        %dma_start3A_188 = tpu.memref_slice %arg11[%add3A_162, %dma_start3A_187] : memref<10240x128xf32, #tpu.memory_space<vmem_shared>> -> memref<16x128xf32, #tpu.memory_space<vmem_shared>>
        tpu.enqueue_dma source(%arg21 : memref<16x128xf32, #tpu.memory_space<vmem>>) target(%dma_start3A_188 : memref<16x128xf32, #tpu.memory_space<vmem_shared>>) target_semaphore(%run_scoped3A : memref<!tpu.dma_semaphore, #tpu.memory_space<semaphore_mem>>)
        %dma_wait3A = arith.constant 0 : i32
        %dma_wait3A_189 = tpu.memref_slice %arg11[%add3A_162, %dma_wait3A] : memref<10240x128xf32, #tpu.memory_space<vmem_shared>> -> memref<16x128xf32, #tpu.memory_space<vmem_shared>>
        %dma_wait3A_190 = arith.constant 0 : i32
        %dma_wait3A_191 = tpu.memref_slice %arg11[%add3A_162, %dma_wait3A_190] : memref<10240x128xf32, #tpu.memory_space<vmem_shared>> -> memref<16x128xf32, #tpu.memory_space<vmem_shared>>
        tpu.wait_dma2 semaphore(%run_scoped3A : memref<!tpu.dma_semaphore, #tpu.memory_space<semaphore_mem>>) src(%arg21 : memref<16x128xf32, #tpu.memory_space<vmem>>) dst(%dma_wait3A_191 : memref<16x128xf32, #tpu.memory_space<vmem_shared>>)
        tpu.yield
      }) : () -> ()
      %mul3A_163 = arith.constant 640 : i32
      %mul3A_164 = arith.muli %arg1, %mul3A_163 : i32
      %add3A_165 = arith.constant 592 : i32
      %add3A_166 = arith.addi %mul3A_164, %add3A_165 : i32
      "tpu.region"() ({
        %run_scoped3A = tpu.sem_alloc : memref<!tpu.dma_semaphore, #tpu.memory_space<semaphore_mem>>
        %dma_start3A = arith.constant 0 : i32
        %dma_start3A_186 = tpu.memref_slice %arg11[%add3A_166, %dma_start3A] : memref<10240x128xf32, #tpu.memory_space<vmem_shared>> -> memref<16x128xf32, #tpu.memory_space<vmem_shared>>
        %dma_start3A_187 = arith.constant 0 : i32
        %dma_start3A_188 = tpu.memref_slice %arg11[%add3A_166, %dma_start3A_187] : memref<10240x128xf32, #tpu.memory_space<vmem_shared>> -> memref<16x128xf32, #tpu.memory_space<vmem_shared>>
        tpu.enqueue_dma source(%arg21 : memref<16x128xf32, #tpu.memory_space<vmem>>) target(%dma_start3A_188 : memref<16x128xf32, #tpu.memory_space<vmem_shared>>) target_semaphore(%run_scoped3A : memref<!tpu.dma_semaphore, #tpu.memory_space<semaphore_mem>>)
        %dma_wait3A = arith.constant 0 : i32
        %dma_wait3A_189 = tpu.memref_slice %arg11[%add3A_166, %dma_wait3A] : memref<10240x128xf32, #tpu.memory_space<vmem_shared>> -> memref<16x128xf32, #tpu.memory_space<vmem_shared>>
        %dma_wait3A_190 = arith.constant 0 : i32
        %dma_wait3A_191 = tpu.memref_slice %arg11[%add3A_166, %dma_wait3A_190] : memref<10240x128xf32, #tpu.memory_space<vmem_shared>> -> memref<16x128xf32, #tpu.memory_space<vmem_shared>>
        tpu.wait_dma2 semaphore(%run_scoped3A : memref<!tpu.dma_semaphore, #tpu.memory_space<semaphore_mem>>) src(%arg21 : memref<16x128xf32, #tpu.memory_space<vmem>>) dst(%dma_wait3A_191 : memref<16x128xf32, #tpu.memory_space<vmem_shared>>)
        tpu.yield
      }) : () -> ()
      %mul3A_167 = arith.constant 640 : i32
      %mul3A_168 = arith.muli %arg1, %mul3A_167 : i32
      %add3A_169 = arith.constant 608 : i32
      %add3A_170 = arith.addi %mul3A_168, %add3A_169 : i32
      "tpu.region"() ({
        %run_scoped3A = tpu.sem_alloc : memref<!tpu.dma_semaphore, #tpu.memory_space<semaphore_mem>>
        %dma_start3A = arith.constant 0 : i32
        %dma_start3A_186 = tpu.memref_slice %arg11[%add3A_170, %dma_start3A] : memref<10240x128xf32, #tpu.memory_space<vmem_shared>> -> memref<16x128xf32, #tpu.memory_space<vmem_shared>>
        %dma_start3A_187 = arith.constant 0 : i32
        %dma_start3A_188 = tpu.memref_slice %arg11[%add3A_170, %dma_start3A_187] : memref<10240x128xf32, #tpu.memory_space<vmem_shared>> -> memref<16x128xf32, #tpu.memory_space<vmem_shared>>
        tpu.enqueue_dma source(%arg21 : memref<16x128xf32, #tpu.memory_space<vmem>>) target(%dma_start3A_188 : memref<16x128xf32, #tpu.memory_space<vmem_shared>>) target_semaphore(%run_scoped3A : memref<!tpu.dma_semaphore, #tpu.memory_space<semaphore_mem>>)
        %dma_wait3A = arith.constant 0 : i32
        %dma_wait3A_189 = tpu.memref_slice %arg11[%add3A_170, %dma_wait3A] : memref<10240x128xf32, #tpu.memory_space<vmem_shared>> -> memref<16x128xf32, #tpu.memory_space<vmem_shared>>
        %dma_wait3A_190 = arith.constant 0 : i32
        %dma_wait3A_191 = tpu.memref_slice %arg11[%add3A_170, %dma_wait3A_190] : memref<10240x128xf32, #tpu.memory_space<vmem_shared>> -> memref<16x128xf32, #tpu.memory_space<vmem_shared>>
        tpu.wait_dma2 semaphore(%run_scoped3A : memref<!tpu.dma_semaphore, #tpu.memory_space<semaphore_mem>>) src(%arg21 : memref<16x128xf32, #tpu.memory_space<vmem>>) dst(%dma_wait3A_191 : memref<16x128xf32, #tpu.memory_space<vmem_shared>>)
        tpu.yield
      }) : () -> ()
      %mul3A_171 = arith.constant 640 : i32
      %mul3A_172 = arith.muli %arg1, %mul3A_171 : i32
      %add3A_173 = arith.constant 624 : i32
      %add3A_174 = arith.addi %mul3A_172, %add3A_173 : i32
      "tpu.region"() ({
        %run_scoped3A = tpu.sem_alloc : memref<!tpu.dma_semaphore, #tpu.memory_space<semaphore_mem>>
        %dma_start3A = arith.constant 0 : i32
        %dma_start3A_186 = tpu.memref_slice %arg11[%add3A_174, %dma_start3A] : memref<10240x128xf32, #tpu.memory_space<vmem_shared>> -> memref<16x128xf32, #tpu.memory_space<vmem_shared>>
        %dma_start3A_187 = arith.constant 0 : i32
        %dma_start3A_188 = tpu.memref_slice %arg11[%add3A_174, %dma_start3A_187] : memref<10240x128xf32, #tpu.memory_space<vmem_shared>> -> memref<16x128xf32, #tpu.memory_space<vmem_shared>>
        tpu.enqueue_dma source(%arg21 : memref<16x128xf32, #tpu.memory_space<vmem>>) target(%dma_start3A_188 : memref<16x128xf32, #tpu.memory_space<vmem_shared>>) target_semaphore(%run_scoped3A : memref<!tpu.dma_semaphore, #tpu.memory_space<semaphore_mem>>)
        %dma_wait3A = arith.constant 0 : i32
        %dma_wait3A_189 = tpu.memref_slice %arg11[%add3A_174, %dma_wait3A] : memref<10240x128xf32, #tpu.memory_space<vmem_shared>> -> memref<16x128xf32, #tpu.memory_space<vmem_shared>>
        %dma_wait3A_190 = arith.constant 0 : i32
        %dma_wait3A_191 = tpu.memref_slice %arg11[%add3A_174, %dma_wait3A_190] : memref<10240x128xf32, #tpu.memory_space<vmem_shared>> -> memref<16x128xf32, #tpu.memory_space<vmem_shared>>
        tpu.wait_dma2 semaphore(%run_scoped3A : memref<!tpu.dma_semaphore, #tpu.memory_space<semaphore_mem>>) src(%arg21 : memref<16x128xf32, #tpu.memory_space<vmem>>) dst(%dma_wait3A_191 : memref<16x128xf32, #tpu.memory_space<vmem_shared>>)
        tpu.yield
      }) : () -> ()
      "tpu.region"() ({
        %run_scoped3A = tpu.sem_alloc : memref<!tpu.dma_semaphore, #tpu.memory_space<semaphore_mem>>
        %dma_start3A = arith.constant 0 : i32
        %dma_start3A_186 = tpu.memref_slice %arg3[%add3A, %dma_start3A] : memref<8x10240xf32, #tpu.memory_space<hbm>> -> memref<1x10240xf32, #tpu.memory_space<hbm>>
        %dma_start3A_187 = tpu.memref_squeeze %dma_start3A_186 : memref<1x10240xf32, #tpu.memory_space<hbm>> -> memref<10240xf32, #tpu.memory_space<hbm>>
        %dma_start3A_188 = arith.constant 0 : i32
        %dma_start3A_189 = tpu.memref_slice %arg3[%add3A, %dma_start3A_188] : memref<8x10240xf32, #tpu.memory_space<hbm>> -> memref<1x10240xf32, #tpu.memory_space<hbm>>
        %dma_start3A_190 = tpu.memref_squeeze %dma_start3A_189 : memref<1x10240xf32, #tpu.memory_space<hbm>> -> memref<10240xf32, #tpu.memory_space<hbm>>
        tpu.enqueue_dma source(%dma_start3A_190 : memref<10240xf32, #tpu.memory_space<hbm>>) target(%arg12 : memref<10240xf32, #tpu.memory_space<vmem>>) target_semaphore(%run_scoped3A : memref<!tpu.dma_semaphore, #tpu.memory_space<semaphore_mem>>)
        %dma_wait3A = arith.constant 0 : i32
        %dma_wait3A_191 = tpu.memref_slice %arg3[%add3A, %dma_wait3A] : memref<8x10240xf32, #tpu.memory_space<hbm>> -> memref<1x10240xf32, #tpu.memory_space<hbm>>
        %dma_wait3A_192 = tpu.memref_squeeze %dma_wait3A_191 : memref<1x10240xf32, #tpu.memory_space<hbm>> -> memref<10240xf32, #tpu.memory_space<hbm>>
        %dma_wait3A_193 = arith.constant 0 : i32
        %dma_wait3A_194 = tpu.memref_slice %arg3[%add3A, %dma_wait3A_193] : memref<8x10240xf32, #tpu.memory_space<hbm>> -> memref<1x10240xf32, #tpu.memory_space<hbm>>
        %dma_wait3A_195 = tpu.memref_squeeze %dma_wait3A_194 : memref<1x10240xf32, #tpu.memory_space<hbm>> -> memref<10240xf32, #tpu.memory_space<hbm>>
        tpu.wait_dma2 semaphore(%run_scoped3A : memref<!tpu.dma_semaphore, #tpu.memory_space<semaphore_mem>>) src(%dma_wait3A_195 : memref<10240xf32, #tpu.memory_space<hbm>>) dst(%arg12 : memref<10240xf32, #tpu.memory_space<vmem>>)
        tpu.yield
      }) : () -> ()
      "tpu.region"() ({
        %run_scoped3A = tpu.sem_alloc : memref<!tpu.dma_semaphore, #tpu.memory_space<semaphore_mem>>
        %dma_start3A = arith.constant 0 : i32
        %dma_start3A_186 = tpu.memref_slice %arg4[%add3A, %dma_start3A] : memref<8x10240xf32, #tpu.memory_space<hbm>> -> memref<1x10240xf32, #tpu.memory_space<hbm>>
        %dma_start3A_187 = tpu.memref_squeeze %dma_start3A_186 : memref<1x10240xf32, #tpu.memory_space<hbm>> -> memref<10240xf32, #tpu.memory_space<hbm>>
        %dma_start3A_188 = arith.constant 0 : i32
        %dma_start3A_189 = tpu.memref_slice %arg4[%add3A, %dma_start3A_188] : memref<8x10240xf32, #tpu.memory_space<hbm>> -> memref<1x10240xf32, #tpu.memory_space<hbm>>
        %dma_start3A_190 = tpu.memref_squeeze %dma_start3A_189 : memref<1x10240xf32, #tpu.memory_space<hbm>> -> memref<10240xf32, #tpu.memory_space<hbm>>
        tpu.enqueue_dma source(%dma_start3A_190 : memref<10240xf32, #tpu.memory_space<hbm>>) target(%arg13 : memref<10240xf32, #tpu.memory_space<vmem>>) target_semaphore(%run_scoped3A : memref<!tpu.dma_semaphore, #tpu.memory_space<semaphore_mem>>)
        %dma_wait3A = arith.constant 0 : i32
        %dma_wait3A_191 = tpu.memref_slice %arg4[%add3A, %dma_wait3A] : memref<8x10240xf32, #tpu.memory_space<hbm>> -> memref<1x10240xf32, #tpu.memory_space<hbm>>
        %dma_wait3A_192 = tpu.memref_squeeze %dma_wait3A_191 : memref<1x10240xf32, #tpu.memory_space<hbm>> -> memref<10240xf32, #tpu.memory_space<hbm>>
        %dma_wait3A_193 = arith.constant 0 : i32
        %dma_wait3A_194 = tpu.memref_slice %arg4[%add3A, %dma_wait3A_193] : memref<8x10240xf32, #tpu.memory_space<hbm>> -> memref<1x10240xf32, #tpu.memory_space<hbm>>
        %dma_wait3A_195 = tpu.memref_squeeze %dma_wait3A_194 : memref<1x10240xf32, #tpu.memory_space<hbm>> -> memref<10240xf32, #tpu.memory_space<hbm>>
        tpu.wait_dma2 semaphore(%run_scoped3A : memref<!tpu.dma_semaphore, #tpu.memory_space<semaphore_mem>>) src(%dma_wait3A_195 : memref<10240xf32, #tpu.memory_space<hbm>>) dst(%arg13 : memref<10240xf32, #tpu.memory_space<vmem>>)
        tpu.yield
      }) : () -> ()
      %barrier3A = arith.constant 0 : index
      tpu.barrier barrier_id(%barrier3A)
      %broadcast_in_dim3A = vector.broadcast %add3A : i32 to vector<16xi32>
      %gather3A = tpu.vector_load_idx %arg22[%broadcast_in_dim3A] : memref<16xf32, #tpu.memory_space<vmem>>[vector<16xi32>], vector<16xf32>,
      %scan3A_175 = arith.constant 0 : i32
      %scan3A_176 = arith.constant 0 : i32
      %scan3A_177 = arith.constant 10 : i32
      %scan3A_178 = arith.addi %scan3A_176, %scan3A_177 : i32
      %scan3A_179 = arith.constant 1 : i32
      scf.for %scan3A_186 = %scan3A_176 to %scan3A_178 step %scan3A_179  : i32 {
        %mul3A_187 = arith.constant 25 : i32
        %mul3A_188 = arith.muli %scan3A_186, %mul3A_187 : i32
        %mul3A_189 = arith.constant 80 : i32
        %mul3A_190 = arith.muli %mul3A_188, %mul3A_189 : i32
        %add3A_191 = arith.addi %mul3A_0, %mul3A_190 : i32
        "tpu.region"() ({
          %run_scoped3A = tpu.sem_alloc : memref<!tpu.dma_semaphore, #tpu.memory_space<semaphore_mem>>
          %dma_start3A = tpu.memref_slice %arg5[%add3A_191] : memref<320000xi32, #tpu.memory_space<hbm>> -> memref<2000xi32, #tpu.memory_space<hbm>>
          %dma_start3A_198 = tpu.memref_slice %arg5[%add3A_191] : memref<320000xi32, #tpu.memory_space<hbm>> -> memref<2000xi32, #tpu.memory_space<hbm>>
          tpu.enqueue_dma source(%dma_start3A_198 : memref<2000xi32, #tpu.memory_space<hbm>>) target(%arg15 : memref<2000xi32, #tpu.memory_space<vmem>>) target_semaphore(%run_scoped3A : memref<!tpu.dma_semaphore, #tpu.memory_space<semaphore_mem>>)
          %dma_wait3A = tpu.memref_slice %arg5[%add3A_191] : memref<320000xi32, #tpu.memory_space<hbm>> -> memref<2000xi32, #tpu.memory_space<hbm>>
          %dma_wait3A_199 = tpu.memref_slice %arg5[%add3A_191] : memref<320000xi32, #tpu.memory_space<hbm>> -> memref<2000xi32, #tpu.memory_space<hbm>>
          tpu.wait_dma2 semaphore(%run_scoped3A : memref<!tpu.dma_semaphore, #tpu.memory_space<semaphore_mem>>) src(%dma_wait3A_199 : memref<2000xi32, #tpu.memory_space<hbm>>) dst(%arg15 : memref<2000xi32, #tpu.memory_space<vmem>>)
          tpu.yield
        }) : () -> ()
        "tpu.region"() ({
          %run_scoped3A = tpu.sem_alloc : memref<!tpu.dma_semaphore, #tpu.memory_space<semaphore_mem>>
          %dma_start3A = tpu.memref_slice %arg6[%add3A_191] : memref<320000xi32, #tpu.memory_space<hbm>> -> memref<2000xi32, #tpu.memory_space<hbm>>
          %dma_start3A_198 = tpu.memref_slice %arg6[%add3A_191] : memref<320000xi32, #tpu.memory_space<hbm>> -> memref<2000xi32, #tpu.memory_space<hbm>>
          tpu.enqueue_dma source(%dma_start3A_198 : memref<2000xi32, #tpu.memory_space<hbm>>) target(%arg16 : memref<2000xi32, #tpu.memory_space<vmem>>) target_semaphore(%run_scoped3A : memref<!tpu.dma_semaphore, #tpu.memory_space<semaphore_mem>>)
          %dma_wait3A = tpu.memref_slice %arg6[%add3A_191] : memref<320000xi32, #tpu.memory_space<hbm>> -> memref<2000xi32, #tpu.memory_space<hbm>>
          %dma_wait3A_199 = tpu.memref_slice %arg6[%add3A_191] : memref<320000xi32, #tpu.memory_space<hbm>> -> memref<2000xi32, #tpu.memory_space<hbm>>
          tpu.wait_dma2 semaphore(%run_scoped3A : memref<!tpu.dma_semaphore, #tpu.memory_space<semaphore_mem>>) src(%dma_wait3A_199 : memref<2000xi32, #tpu.memory_space<hbm>>) dst(%arg16 : memref<2000xi32, #tpu.memory_space<vmem>>)
          tpu.yield
        }) : () -> ()
        %scan3A_192 = arith.constant 0 : i32
        %scan3A_193 = arith.constant 0 : i32
        %scan3A_194 = arith.constant 25 : i32
        %scan3A_195 = arith.addi %scan3A_193, %scan3A_194 : i32
        %scan3A_196 = arith.constant 1 : i32
        scf.for %scan3A_198 = %scan3A_193 to %scan3A_195 step %scan3A_196  : i32 {
          %mul3A_199 = arith.constant 80 : i32
          %mul3A_200 = arith.muli %scan3A_198, %mul3A_199 : i32
          %add3A_201 = arith.constant 0 : i32
          %add3A_202 = arith.addi %mul3A_200, %add3A_201 : i32
          %get3A = arith.index_cast %add3A_202 : i32 to index
          %get3A_203 = tpu.vector_load %arg15[%get3A] {strides = array<i32>} : memref<2000xi32, #tpu.memory_space<vmem>>, vector<16xi32>,
          %add3A_204 = arith.constant 0 : i32
          %add3A_205 = arith.addi %mul3A_200, %add3A_204 : i32
          %get3A_206 = arith.index_cast %add3A_205 : i32 to index
          %get3A_207 = tpu.vector_load %arg16[%get3A_206] {strides = array<i32>} : memref<2000xi32, #tpu.memory_space<vmem>>, vector<16xi32>,
          %mul3A_208 = arith.constant 8 : i32
          %mul3A_209 = vector.broadcast %mul3A_208 : i32 to vector<16xi32>
          %mul3A_210 = arith.muli %get3A_203, %mul3A_209 : vector<16xi32>
          %add3A_211 = vector.broadcast %add3A : i32 to vector<16xi32>
          %add3A_212 = arith.addi %mul3A_210, %add3A_211 : vector<16xi32>
          %swap3A = arith.constant 0 : index
          %swap3A_213 = tpu.vector_load %arg17[%swap3A] {strides = array<i32>} : memref<80xi32, #tpu.memory_space<vmem>>, vector<16xi32>,
          tpu.vector_store %arg17[%swap3A], %add3A_212 {strides = array<i32>} : memref<80xi32, #tpu.memory_space<vmem>>, vector<16xi32>,
          %swap3A_214 = arith.constant 0 : index
          %swap3A_215 = tpu.vector_load %arg18[%swap3A_214] {strides = array<i32>} : memref<80xi32, #tpu.memory_space<vmem>>, vector<16xi32>,
          tpu.vector_store %arg18[%swap3A_214], %get3A_207 {strides = array<i32>} : memref<80xi32, #tpu.memory_space<vmem>>, vector<16xi32>,
          %add3A_216 = arith.constant 16 : i32
          %add3A_217 = arith.addi %mul3A_200, %add3A_216 : i32
          %get3A_218 = arith.index_cast %add3A_217 : i32 to index
          %get3A_219 = tpu.vector_load %arg15[%get3A_218] {strides = array<i32>} : memref<2000xi32, #tpu.memory_space<vmem>>, vector<16xi32>,
          %add3A_220 = arith.constant 16 : i32
          %add3A_221 = arith.addi %mul3A_200, %add3A_220 : i32
          %get3A_222 = arith.index_cast %add3A_221 : i32 to index
          %get3A_223 = tpu.vector_load %arg16[%get3A_222] {strides = array<i32>} : memref<2000xi32, #tpu.memory_space<vmem>>, vector<16xi32>,
          %mul3A_224 = arith.constant 8 : i32
          %mul3A_225 = vector.broadcast %mul3A_224 : i32 to vector<16xi32>
          %mul3A_226 = arith.muli %get3A_219, %mul3A_225 : vector<16xi32>
          %add3A_227 = vector.broadcast %add3A : i32 to vector<16xi32>
          %add3A_228 = arith.addi %mul3A_226, %add3A_227 : vector<16xi32>
          %swap3A_229 = arith.constant 16 : index
          %swap3A_230 = tpu.vector_load %arg17[%swap3A_229] {strides = array<i32>} : memref<80xi32, #tpu.memory_space<vmem>>, vector<16xi32>,
          tpu.vector_store %arg17[%swap3A_229], %add3A_228 {strides = array<i32>} : memref<80xi32, #tpu.memory_space<vmem>>, vector<16xi32>,
          %swap3A_231 = arith.constant 16 : index
          %swap3A_232 = tpu.vector_load %arg18[%swap3A_231] {strides = array<i32>} : memref<80xi32, #tpu.memory_space<vmem>>, vector<16xi32>,
          tpu.vector_store %arg18[%swap3A_231], %get3A_223 {strides = array<i32>} : memref<80xi32, #tpu.memory_space<vmem>>, vector<16xi32>,
          %add3A_233 = arith.constant 32 : i32
          %add3A_234 = arith.addi %mul3A_200, %add3A_233 : i32
          %get3A_235 = arith.index_cast %add3A_234 : i32 to index
          %get3A_236 = tpu.vector_load %arg15[%get3A_235] {strides = array<i32>} : memref<2000xi32, #tpu.memory_space<vmem>>, vector<16xi32>,
          %add3A_237 = arith.constant 32 : i32
          %add3A_238 = arith.addi %mul3A_200, %add3A_237 : i32
          %get3A_239 = arith.index_cast %add3A_238 : i32 to index
          %get3A_240 = tpu.vector_load %arg16[%get3A_239] {strides = array<i32>} : memref<2000xi32, #tpu.memory_space<vmem>>, vector<16xi32>,
          %mul3A_241 = arith.constant 8 : i32
          %mul3A_242 = vector.broadcast %mul3A_241 : i32 to vector<16xi32>
          %mul3A_243 = arith.muli %get3A_236, %mul3A_242 : vector<16xi32>
          %add3A_244 = vector.broadcast %add3A : i32 to vector<16xi32>
          %add3A_245 = arith.addi %mul3A_243, %add3A_244 : vector<16xi32>
          %swap3A_246 = arith.constant 32 : index
          %swap3A_247 = tpu.vector_load %arg17[%swap3A_246] {strides = array<i32>} : memref<80xi32, #tpu.memory_space<vmem>>, vector<16xi32>,
          tpu.vector_store %arg17[%swap3A_246], %add3A_245 {strides = array<i32>} : memref<80xi32, #tpu.memory_space<vmem>>, vector<16xi32>,
          %swap3A_248 = arith.constant 32 : index
          %swap3A_249 = tpu.vector_load %arg18[%swap3A_248] {strides = array<i32>} : memref<80xi32, #tpu.memory_space<vmem>>, vector<16xi32>,
          tpu.vector_store %arg18[%swap3A_248], %get3A_240 {strides = array<i32>} : memref<80xi32, #tpu.memory_space<vmem>>, vector<16xi32>,
          %add3A_250 = arith.constant 48 : i32
          %add3A_251 = arith.addi %mul3A_200, %add3A_250 : i32
          %get3A_252 = arith.index_cast %add3A_251 : i32 to index
          %get3A_253 = tpu.vector_load %arg15[%get3A_252] {strides = array<i32>} : memref<2000xi32, #tpu.memory_space<vmem>>, vector<16xi32>,
          %add3A_254 = arith.constant 48 : i32
          %add3A_255 = arith.addi %mul3A_200, %add3A_254 : i32
          %get3A_256 = arith.index_cast %add3A_255 : i32 to index
          %get3A_257 = tpu.vector_load %arg16[%get3A_256] {strides = array<i32>} : memref<2000xi32, #tpu.memory_space<vmem>>, vector<16xi32>,
          %mul3A_258 = arith.constant 8 : i32
          %mul3A_259 = vector.broadcast %mul3A_258 : i32 to vector<16xi32>
          %mul3A_260 = arith.muli %get3A_253, %mul3A_259 : vector<16xi32>
          %add3A_261 = vector.broadcast %add3A : i32 to vector<16xi32>
          %add3A_262 = arith.addi %mul3A_260, %add3A_261 : vector<16xi32>
          %swap3A_263 = arith.constant 48 : index
          %swap3A_264 = tpu.vector_load %arg17[%swap3A_263] {strides = array<i32>} : memref<80xi32, #tpu.memory_space<vmem>>, vector<16xi32>,
          tpu.vector_store %arg17[%swap3A_263], %add3A_262 {strides = array<i32>} : memref<80xi32, #tpu.memory_space<vmem>>, vector<16xi32>,
          %swap3A_265 = arith.constant 48 : index
          %swap3A_266 = tpu.vector_load %arg18[%swap3A_265] {strides = array<i32>} : memref<80xi32, #tpu.memory_space<vmem>>, vector<16xi32>,
          tpu.vector_store %arg18[%swap3A_265], %get3A_257 {strides = array<i32>} : memref<80xi32, #tpu.memory_space<vmem>>, vector<16xi32>,
          %add3A_267 = arith.constant 64 : i32
          %add3A_268 = arith.addi %mul3A_200, %add3A_267 : i32
          %get3A_269 = arith.index_cast %add3A_268 : i32 to index
          %get3A_270 = tpu.vector_load %arg15[%get3A_269] {strides = array<i32>} : memref<2000xi32, #tpu.memory_space<vmem>>, vector<16xi32>,
          %add3A_271 = arith.constant 64 : i32
          %add3A_272 = arith.addi %mul3A_200, %add3A_271 : i32
          %get3A_273 = arith.index_cast %add3A_272 : i32 to index
          %get3A_274 = tpu.vector_load %arg16[%get3A_273] {strides = array<i32>} : memref<2000xi32, #tpu.memory_space<vmem>>, vector<16xi32>,
          %mul3A_275 = arith.constant 8 : i32
          %mul3A_276 = vector.broadcast %mul3A_275 : i32 to vector<16xi32>
          %mul3A_277 = arith.muli %get3A_270, %mul3A_276 : vector<16xi32>
          %add3A_278 = vector.broadcast %add3A : i32 to vector<16xi32>
          %add3A_279 = arith.addi %mul3A_277, %add3A_278 : vector<16xi32>
          %swap3A_280 = arith.constant 64 : index
          %swap3A_281 = tpu.vector_load %arg17[%swap3A_280] {strides = array<i32>} : memref<80xi32, #tpu.memory_space<vmem>>, vector<16xi32>,
          tpu.vector_store %arg17[%swap3A_280], %add3A_279 {strides = array<i32>} : memref<80xi32, #tpu.memory_space<vmem>>, vector<16xi32>,
          %swap3A_282 = arith.constant 64 : index
          %swap3A_283 = tpu.vector_load %arg18[%swap3A_282] {strides = array<i32>} : memref<80xi32, #tpu.memory_space<vmem>>, vector<16xi32>,
          tpu.vector_store %arg18[%swap3A_282], %get3A_274 {strides = array<i32>} : memref<80xi32, #tpu.memory_space<vmem>>, vector<16xi32>,
          %dma_start3A = arith.constant 0 : i32
          %dma_start3A_284 = arith.constant 0 : i32
          %dma_start3A_285 = tpu.memref_slice %arg2[%dma_start3A, %dma_start3A_284] : memref<80000x128xf32, #tpu.memory_space<hbm>> -> memref<80000x128xf32, #tpu.memory_space<hbm>>
          tpu.enqueue_indirect_dma source(%dma_start3A_285 : memref<80000x128xf32, #tpu.memory_space<hbm>>) target(%arg20 : memref<80x128xf32, #tpu.memory_space<vmem>>) offsets(%arg17 : memref<80xi32, #tpu.memory_space<vmem>>) semaphore(%arg23 : memref<!tpu.dma_semaphore, #tpu.memory_space<semaphore_mem>>)
          %add3A_286 = arith.constant 0 : i32
          %add3A_287 = arith.addi %mul3A_200, %add3A_286 : i32
          %get3A_288 = arith.index_cast %add3A_287 : i32 to index
          %get3A_289 = tpu.vector_load %arg15[%get3A_288] {strides = array<i32>} : memref<2000xi32, #tpu.memory_space<vmem>>, vector<16xi32>,
          %add3A_290 = arith.constant 0 : i32
          %add3A_291 = arith.addi %mul3A_200, %add3A_290 : i32
          %get3A_292 = arith.index_cast %add3A_291 : i32 to index
          %get3A_293 = tpu.vector_load %arg16[%get3A_292] {strides = array<i32>} : memref<2000xi32, #tpu.memory_space<vmem>>, vector<16xi32>,
          %gather3A_294 = tpu.vector_load_idx %arg12[%get3A_289] : memref<10240xf32, #tpu.memory_space<vmem>>[vector<16xi32>], vector<16xf32>,
          %gather3A_295 = tpu.vector_load_idx %arg13[%get3A_293] : memref<10240xf32, #tpu.memory_space<vmem>>[vector<16xi32>], vector<16xf32>,
          %add3A_296 = arith.addf %gather3A_294, %gather3A_295 : vector<16xf32>
          %gt3A = arith.constant 0.000000e+00 : f32
          %gt3A_297 = vector.broadcast %gt3A : f32 to vector<16xf32>
          %gt3A_298 = arith.cmpf ogt, %add3A_296, %gt3A_297 : vector<16xf32>
          %mul3A_299 = arith.constant 2.000000e-01 : f32
          %mul3A_300 = vector.broadcast %mul3A_299 : f32 to vector<16xf32>
          %mul3A_301 = arith.mulf %mul3A_300, %add3A_296 : vector<16xf32>
          %select_n3A = arith.select %gt3A_298, %add3A_296, %mul3A_301 : vector<16xi1>, vector<16xf32>
          %sub3A = arith.subf %select_n3A, %gather3A : vector<16xf32>
          %exp3A = math.exp %sub3A : vector<16xf32>
          %swap3A_302 = arith.constant 0 : index
          %swap3A_303 = tpu.vector_load %arg19[%swap3A_302] {strides = array<i32>} : memref<80xf32, #tpu.memory_space<vmem>>, vector<16xf32>,
          tpu.vector_store %arg19[%swap3A_302], %exp3A {strides = array<i32>} : memref<80xf32, #tpu.memory_space<vmem>>, vector<16xf32>,
          tpu.vector_store_idx %arg14[%get3A_293], %exp3A {add = true} : memref<10240xf32, #tpu.memory_space<vmem>>[vector<16xi32>], vector<16xf32>,
          %add3A_304 = arith.constant 16 : i32
          %add3A_305 = arith.addi %mul3A_200, %add3A_304 : i32
          %get3A_306 = arith.index_cast %add3A_305 : i32 to index
          %get3A_307 = tpu.vector_load %arg15[%get3A_306] {strides = array<i32>} : memref<2000xi32, #tpu.memory_space<vmem>>, vector<16xi32>,
          %add3A_308 = arith.constant 16 : i32
          %add3A_309 = arith.addi %mul3A_200, %add3A_308 : i32
          %get3A_310 = arith.index_cast %add3A_309 : i32 to index
          %get3A_311 = tpu.vector_load %arg16[%get3A_310] {strides = array<i32>} : memref<2000xi32, #tpu.memory_space<vmem>>, vector<16xi32>,
          %gather3A_312 = tpu.vector_load_idx %arg12[%get3A_307] : memref<10240xf32, #tpu.memory_space<vmem>>[vector<16xi32>], vector<16xf32>,
          %gather3A_313 = tpu.vector_load_idx %arg13[%get3A_311] : memref<10240xf32, #tpu.memory_space<vmem>>[vector<16xi32>], vector<16xf32>,
          %add3A_314 = arith.addf %gather3A_312, %gather3A_313 : vector<16xf32>
          %gt3A_315 = arith.constant 0.000000e+00 : f32
          %gt3A_316 = vector.broadcast %gt3A_315 : f32 to vector<16xf32>
          %gt3A_317 = arith.cmpf ogt, %add3A_314, %gt3A_316 : vector<16xf32>
          %mul3A_318 = arith.constant 2.000000e-01 : f32
          %mul3A_319 = vector.broadcast %mul3A_318 : f32 to vector<16xf32>
          %mul3A_320 = arith.mulf %mul3A_319, %add3A_314 : vector<16xf32>
          %select_n3A_321 = arith.select %gt3A_317, %add3A_314, %mul3A_320 : vector<16xi1>, vector<16xf32>
          %sub3A_322 = arith.subf %select_n3A_321, %gather3A : vector<16xf32>
          %exp3A_323 = math.exp %sub3A_322 : vector<16xf32>
          %swap3A_324 = arith.constant 16 : index
          %swap3A_325 = tpu.vector_load %arg19[%swap3A_324] {strides = array<i32>} : memref<80xf32, #tpu.memory_space<vmem>>, vector<16xf32>,
          tpu.vector_store %arg19[%swap3A_324], %exp3A_323 {strides = array<i32>} : memref<80xf32, #tpu.memory_space<vmem>>, vector<16xf32>,
          tpu.vector_store_idx %arg14[%get3A_311], %exp3A_323 {add = true} : memref<10240xf32, #tpu.memory_space<vmem>>[vector<16xi32>], vector<16xf32>,
          %add3A_326 = arith.constant 32 : i32
          %add3A_327 = arith.addi %mul3A_200, %add3A_326 : i32
          %get3A_328 = arith.index_cast %add3A_327 : i32 to index
          %get3A_329 = tpu.vector_load %arg15[%get3A_328] {strides = array<i32>} : memref<2000xi32, #tpu.memory_space<vmem>>, vector<16xi32>,
          %add3A_330 = arith.constant 32 : i32
          %add3A_331 = arith.addi %mul3A_200, %add3A_330 : i32
          %get3A_332 = arith.index_cast %add3A_331 : i32 to index
          %get3A_333 = tpu.vector_load %arg16[%get3A_332] {strides = array<i32>} : memref<2000xi32, #tpu.memory_space<vmem>>, vector<16xi32>,
          %gather3A_334 = tpu.vector_load_idx %arg12[%get3A_329] : memref<10240xf32, #tpu.memory_space<vmem>>[vector<16xi32>], vector<16xf32>,
          %gather3A_335 = tpu.vector_load_idx %arg13[%get3A_333] : memref<10240xf32, #tpu.memory_space<vmem>>[vector<16xi32>], vector<16xf32>,
          %add3A_336 = arith.addf %gather3A_334, %gather3A_335 : vector<16xf32>
          %gt3A_337 = arith.constant 0.000000e+00 : f32
          %gt3A_338 = vector.broadcast %gt3A_337 : f32 to vector<16xf32>
          %gt3A_339 = arith.cmpf ogt, %add3A_336, %gt3A_338 : vector<16xf32>
          %mul3A_340 = arith.constant 2.000000e-01 : f32
          %mul3A_341 = vector.broadcast %mul3A_340 : f32 to vector<16xf32>
          %mul3A_342 = arith.mulf %mul3A_341, %add3A_336 : vector<16xf32>
          %select_n3A_343 = arith.select %gt3A_339, %add3A_336, %mul3A_342 : vector<16xi1>, vector<16xf32>
          %sub3A_344 = arith.subf %select_n3A_343, %gather3A : vector<16xf32>
          %exp3A_345 = math.exp %sub3A_344 : vector<16xf32>
          %swap3A_346 = arith.constant 32 : index
          %swap3A_347 = tpu.vector_load %arg19[%swap3A_346] {strides = array<i32>} : memref<80xf32, #tpu.memory_space<vmem>>, vector<16xf32>,
          tpu.vector_store %arg19[%swap3A_346], %exp3A_345 {strides = array<i32>} : memref<80xf32, #tpu.memory_space<vmem>>, vector<16xf32>,
          tpu.vector_store_idx %arg14[%get3A_333], %exp3A_345 {add = true} : memref<10240xf32, #tpu.memory_space<vmem>>[vector<16xi32>], vector<16xf32>,
          %add3A_348 = arith.constant 48 : i32
          %add3A_349 = arith.addi %mul3A_200, %add3A_348 : i32
          %get3A_350 = arith.index_cast %add3A_349 : i32 to index
          %get3A_351 = tpu.vector_load %arg15[%get3A_350] {strides = array<i32>} : memref<2000xi32, #tpu.memory_space<vmem>>, vector<16xi32>,
          %add3A_352 = arith.constant 48 : i32
          %add3A_353 = arith.addi %mul3A_200, %add3A_352 : i32
          %get3A_354 = arith.index_cast %add3A_353 : i32 to index
          %get3A_355 = tpu.vector_load %arg16[%get3A_354] {strides = array<i32>} : memref<2000xi32, #tpu.memory_space<vmem>>, vector<16xi32>,
          %gather3A_356 = tpu.vector_load_idx %arg12[%get3A_351] : memref<10240xf32, #tpu.memory_space<vmem>>[vector<16xi32>], vector<16xf32>,
          %gather3A_357 = tpu.vector_load_idx %arg13[%get3A_355] : memref<10240xf32, #tpu.memory_space<vmem>>[vector<16xi32>], vector<16xf32>,
          %add3A_358 = arith.addf %gather3A_356, %gather3A_357 : vector<16xf32>
          %gt3A_359 = arith.constant 0.000000e+00 : f32
          %gt3A_360 = vector.broadcast %gt3A_359 : f32 to vector<16xf32>
          %gt3A_361 = arith.cmpf ogt, %add3A_358, %gt3A_360 : vector<16xf32>
          %mul3A_362 = arith.constant 2.000000e-01 : f32
          %mul3A_363 = vector.broadcast %mul3A_362 : f32 to vector<16xf32>
          %mul3A_364 = arith.mulf %mul3A_363, %add3A_358 : vector<16xf32>
          %select_n3A_365 = arith.select %gt3A_361, %add3A_358, %mul3A_364 : vector<16xi1>, vector<16xf32>
          %sub3A_366 = arith.subf %select_n3A_365, %gather3A : vector<16xf32>
          %exp3A_367 = math.exp %sub3A_366 : vector<16xf32>
          %swap3A_368 = arith.constant 48 : index
          %swap3A_369 = tpu.vector_load %arg19[%swap3A_368] {strides = array<i32>} : memref<80xf32, #tpu.memory_space<vmem>>, vector<16xf32>,
          tpu.vector_store %arg19[%swap3A_368], %exp3A_367 {strides = array<i32>} : memref<80xf32, #tpu.memory_space<vmem>>, vector<16xf32>,
          tpu.vector_store_idx %arg14[%get3A_355], %exp3A_367 {add = true} : memref<10240xf32, #tpu.memory_space<vmem>>[vector<16xi32>], vector<16xf32>,
          %add3A_370 = arith.constant 64 : i32
          %add3A_371 = arith.addi %mul3A_200, %add3A_370 : i32
          %get3A_372 = arith.index_cast %add3A_371 : i32 to index
          %get3A_373 = tpu.vector_load %arg15[%get3A_372] {strides = array<i32>} : memref<2000xi32, #tpu.memory_space<vmem>>, vector<16xi32>,
          %add3A_374 = arith.constant 64 : i32
          %add3A_375 = arith.addi %mul3A_200, %add3A_374 : i32
          %get3A_376 = arith.index_cast %add3A_375 : i32 to index
          %get3A_377 = tpu.vector_load %arg16[%get3A_376] {strides = array<i32>} : memref<2000xi32, #tpu.memory_space<vmem>>, vector<16xi32>,
          %gather3A_378 = tpu.vector_load_idx %arg12[%get3A_373] : memref<10240xf32, #tpu.memory_space<vmem>>[vector<16xi32>], vector<16xf32>,
          %gather3A_379 = tpu.vector_load_idx %arg13[%get3A_377] : memref<10240xf32, #tpu.memory_space<vmem>>[vector<16xi32>], vector<16xf32>,
          %add3A_380 = arith.addf %gather3A_378, %gather3A_379 : vector<16xf32>
          %gt3A_381 = arith.constant 0.000000e+00 : f32
          %gt3A_382 = vector.broadcast %gt3A_381 : f32 to vector<16xf32>
          %gt3A_383 = arith.cmpf ogt, %add3A_380, %gt3A_382 : vector<16xf32>
          %mul3A_384 = arith.constant 2.000000e-01 : f32
          %mul3A_385 = vector.broadcast %mul3A_384 : f32 to vector<16xf32>
          %mul3A_386 = arith.mulf %mul3A_385, %add3A_380 : vector<16xf32>
          %select_n3A_387 = arith.select %gt3A_383, %add3A_380, %mul3A_386 : vector<16xi1>, vector<16xf32>
          %sub3A_388 = arith.subf %select_n3A_387, %gather3A : vector<16xf32>
          %exp3A_389 = math.exp %sub3A_388 : vector<16xf32>
          %swap3A_390 = arith.constant 64 : index
          %swap3A_391 = tpu.vector_load %arg19[%swap3A_390] {strides = array<i32>} : memref<80xf32, #tpu.memory_space<vmem>>, vector<16xf32>,
          tpu.vector_store %arg19[%swap3A_390], %exp3A_389 {strides = array<i32>} : memref<80xf32, #tpu.memory_space<vmem>>, vector<16xf32>,
          tpu.vector_store_idx %arg14[%get3A_377], %exp3A_389 {add = true} : memref<10240xf32, #tpu.memory_space<vmem>>[vector<16xi32>], vector<16xf32>,
          %dma_wait3A = arith.constant 0 : i32
          %dma_wait3A_392 = arith.constant 0 : i32
          %dma_wait3A_393 = tpu.memref_slice %arg2[%dma_wait3A, %dma_wait3A_392] : memref<80000x128xf32, #tpu.memory_space<hbm>> -> memref<80000x128xf32, #tpu.memory_space<hbm>>
          tpu.wait_indirect_dma semaphore(%arg23 : memref<!tpu.dma_semaphore, #tpu.memory_space<semaphore_mem>>) src(%dma_wait3A_393 : memref<80000x128xf32, #tpu.memory_space<hbm>>) dst(%arg20 : memref<80x128xf32, #tpu.memory_space<vmem>>)
          %scan3A_394 = arith.constant 0 : i32
          %scan3A_395 = arith.constant 0 : i32
          %scan3A_396 = arith.constant 80 : i32
          %scan3A_397 = arith.addi %scan3A_395, %scan3A_396 : i32
          %scan3A_398 = arith.constant 1 : i32
          scf.for %scan3A_400 = %scan3A_395 to %scan3A_397 step %scan3A_398  : i32 {
            %broadcast_in_dim3A_401 = vector.broadcast %scan3A_400 : i32 to vector<16xi32>
            %gather3A_402 = tpu.vector_load_idx %arg19[%broadcast_in_dim3A_401] : memref<80xf32, #tpu.memory_space<vmem>>[vector<16xi32>], vector<16xf32>,
            %get3A_403 = arith.index_cast %scan3A_400 : i32 to index
            %get3A_404 = arith.constant 0 : index
            %get3A_405 = tpu.vector_load %arg20[%get3A_403, %get3A_404] {strides = array<i32>} : memref<80x128xf32, #tpu.memory_space<vmem>>, vector<16xf32>,
            %mul3A_406 = arith.mulf %get3A_405, %gather3A_402 : vector<16xf32>
            %swap3A_407 = arith.index_cast %scan3A_400 : i32 to index
            %swap3A_408 = arith.constant 0 : index
            %swap3A_409 = tpu.vector_load %arg20[%swap3A_407, %swap3A_408] {strides = array<i32>} : memref<80x128xf32, #tpu.memory_space<vmem>>, vector<16xf32>,
            tpu.vector_store %arg20[%swap3A_407, %swap3A_408], %mul3A_406 {strides = array<i32>} : memref<80x128xf32, #tpu.memory_space<vmem>>, vector<16xf32>,
            %get3A_410 = arith.index_cast %scan3A_400 : i32 to index
            %get3A_411 = arith.constant 16 : index
            %get3A_412 = tpu.vector_load %arg20[%get3A_410, %get3A_411] {strides = array<i32>} : memref<80x128xf32, #tpu.memory_space<vmem>>, vector<16xf32>,
            %mul3A_413 = arith.mulf %get3A_412, %gather3A_402 : vector<16xf32>
            %swap3A_414 = arith.index_cast %scan3A_400 : i32 to index
            %swap3A_415 = arith.constant 16 : index
            %swap3A_416 = tpu.vector_load %arg20[%swap3A_414, %swap3A_415] {strides = array<i32>} : memref<80x128xf32, #tpu.memory_space<vmem>>, vector<16xf32>,
            tpu.vector_store %arg20[%swap3A_414, %swap3A_415], %mul3A_413 {strides = array<i32>} : memref<80x128xf32, #tpu.memory_space<vmem>>, vector<16xf32>,
            %get3A_417 = arith.index_cast %scan3A_400 : i32 to index
            %get3A_418 = arith.constant 32 : index
            %get3A_419 = tpu.vector_load %arg20[%get3A_417, %get3A_418] {strides = array<i32>} : memref<80x128xf32, #tpu.memory_space<vmem>>, vector<16xf32>,
            %mul3A_420 = arith.mulf %get3A_419, %gather3A_402 : vector<16xf32>
            %swap3A_421 = arith.index_cast %scan3A_400 : i32 to index
            %swap3A_422 = arith.constant 32 : index
            %swap3A_423 = tpu.vector_load %arg20[%swap3A_421, %swap3A_422] {strides = array<i32>} : memref<80x128xf32, #tpu.memory_space<vmem>>, vector<16xf32>,
            tpu.vector_store %arg20[%swap3A_421, %swap3A_422], %mul3A_420 {strides = array<i32>} : memref<80x128xf32, #tpu.memory_space<vmem>>, vector<16xf32>,
            %get3A_424 = arith.index_cast %scan3A_400 : i32 to index
            %get3A_425 = arith.constant 48 : index
            %get3A_426 = tpu.vector_load %arg20[%get3A_424, %get3A_425] {strides = array<i32>} : memref<80x128xf32, #tpu.memory_space<vmem>>, vector<16xf32>,
            %mul3A_427 = arith.mulf %get3A_426, %gather3A_402 : vector<16xf32>
            %swap3A_428 = arith.index_cast %scan3A_400 : i32 to index
            %swap3A_429 = arith.constant 48 : index
            %swap3A_430 = tpu.vector_load %arg20[%swap3A_428, %swap3A_429] {strides = array<i32>} : memref<80x128xf32, #tpu.memory_space<vmem>>, vector<16xf32>,
            tpu.vector_store %arg20[%swap3A_428, %swap3A_429], %mul3A_427 {strides = array<i32>} : memref<80x128xf32, #tpu.memory_space<vmem>>, vector<16xf32>,
            %get3A_431 = arith.index_cast %scan3A_400 : i32 to index
            %get3A_432 = arith.constant 64 : index
            %get3A_433 = tpu.vector_load %arg20[%get3A_431, %get3A_432] {strides = array<i32>} : memref<80x128xf32, #tpu.memory_space<vmem>>, vector<16xf32>,
            %mul3A_434 = arith.mulf %get3A_433, %gather3A_402 : vector<16xf32>
            %swap3A_435 = arith.index_cast %scan3A_400 : i32 to index
            %swap3A_436 = arith.constant 64 : index
            %swap3A_437 = tpu.vector_load %arg20[%swap3A_435, %swap3A_436] {strides = array<i32>} : memref<80x128xf32, #tpu.memory_space<vmem>>, vector<16xf32>,
            tpu.vector_store %arg20[%swap3A_435, %swap3A_436], %mul3A_434 {strides = array<i32>} : memref<80x128xf32, #tpu.memory_space<vmem>>, vector<16xf32>,
            %get3A_438 = arith.index_cast %scan3A_400 : i32 to index
            %get3A_439 = arith.constant 80 : index
            %get3A_440 = tpu.vector_load %arg20[%get3A_438, %get3A_439] {strides = array<i32>} : memref<80x128xf32, #tpu.memory_space<vmem>>, vector<16xf32>,
            %mul3A_441 = arith.mulf %get3A_440, %gather3A_402 : vector<16xf32>
            %swap3A_442 = arith.index_cast %scan3A_400 : i32 to index
            %swap3A_443 = arith.constant 80 : index
            %swap3A_444 = tpu.vector_load %arg20[%swap3A_442, %swap3A_443] {strides = array<i32>} : memref<80x128xf32, #tpu.memory_space<vmem>>, vector<16xf32>,
            tpu.vector_store %arg20[%swap3A_442, %swap3A_443], %mul3A_441 {strides = array<i32>} : memref<80x128xf32, #tpu.memory_space<vmem>>, vector<16xf32>,
            %get3A_445 = arith.index_cast %scan3A_400 : i32 to index
            %get3A_446 = arith.constant 96 : index
            %get3A_447 = tpu.vector_load %arg20[%get3A_445, %get3A_446] {strides = array<i32>} : memref<80x128xf32, #tpu.memory_space<vmem>>, vector<16xf32>,
            %mul3A_448 = arith.mulf %get3A_447, %gather3A_402 : vector<16xf32>
            %swap3A_449 = arith.index_cast %scan3A_400 : i32 to index
            %swap3A_450 = arith.constant 96 : index
            %swap3A_451 = tpu.vector_load %arg20[%swap3A_449, %swap3A_450] {strides = array<i32>} : memref<80x128xf32, #tpu.memory_space<vmem>>, vector<16xf32>,
            tpu.vector_store %arg20[%swap3A_449, %swap3A_450], %mul3A_448 {strides = array<i32>} : memref<80x128xf32, #tpu.memory_space<vmem>>, vector<16xf32>,
            %get3A_452 = arith.index_cast %scan3A_400 : i32 to index
            %get3A_453 = arith.constant 112 : index
            %get3A_454 = tpu.vector_load %arg20[%get3A_452, %get3A_453] {strides = array<i32>} : memref<80x128xf32, #tpu.memory_space<vmem>>, vector<16xf32>,
            %mul3A_455 = arith.mulf %get3A_454, %gather3A_402 : vector<16xf32>
            %swap3A_456 = arith.index_cast %scan3A_400 : i32 to index
            %swap3A_457 = arith.constant 112 : index
            %swap3A_458 = tpu.vector_load %arg20[%swap3A_456, %swap3A_457] {strides = array<i32>} : memref<80x128xf32, #tpu.memory_space<vmem>>, vector<16xf32>,
            tpu.vector_store %arg20[%swap3A_456, %swap3A_457], %mul3A_455 {strides = array<i32>} : memref<80x128xf32, #tpu.memory_space<vmem>>, vector<16xf32>,
          }
          %scan3A_399 = arith.constant 80 : i32
          "tpu.region"() ({
            %run_scoped3A = tpu.sem_alloc : memref<!tpu.dma_semaphore, #tpu.memory_space<semaphore_mem>>
            %dma_start3A_400 = arith.constant 0 : i32
            %dma_start3A_401 = arith.constant 0 : i32
            %dma_start3A_402 = tpu.memref_slice %arg11[%dma_start3A_400, %dma_start3A_401] : memref<10240x128xf32, #tpu.memory_space<vmem_shared>> -> memref<10240x128xf32, #tpu.memory_space<vmem_shared>>
            tpu.enqueue_indirect_dma source(%arg20 : memref<80x128xf32, #tpu.memory_space<vmem>>) target(%dma_start3A_402 : memref<10240x128xf32, #tpu.memory_space<vmem_shared>>) offsets(%arg18 : memref<80xi32, #tpu.memory_space<vmem>>) semaphore(%run_scoped3A : memref<!tpu.dma_semaphore, #tpu.memory_space<semaphore_mem>>) {add = true}
            %dma_wait3A_403 = arith.constant 0 : i32
            %dma_wait3A_404 = arith.constant 0 : i32
            %dma_wait3A_405 = tpu.memref_slice %arg11[%dma_wait3A_403, %dma_wait3A_404] : memref<10240x128xf32, #tpu.memory_space<vmem_shared>> -> memref<10240x128xf32, #tpu.memory_space<vmem_shared>>
            tpu.wait_indirect_dma semaphore(%run_scoped3A : memref<!tpu.dma_semaphore, #tpu.memory_space<semaphore_mem>>) src(%arg20 : memref<80x128xf32, #tpu.memory_space<vmem>>) dst(%dma_wait3A_405 : memref<10240x128xf32, #tpu.memory_space<vmem_shared>>)
            tpu.yield
          }) : () -> ()
        }
        %scan3A_197 = arith.constant 25 : i32
      }
      %scan3A_180 = arith.constant 10 : i32
      %barrier3A_181 = arith.constant 0 : index
      tpu.barrier barrier_id(%barrier3A_181)
      %mul3A_182 = arith.constant 640 : i32
      %mul3A_183 = arith.muli %arg1, %mul3A_182 : i32
      %mul3A_184 = arith.constant 640 : i32
      %mul3A_185 = arith.muli %arg1, %mul3A_184 : i32
      "tpu.region"() ({
        %run_scoped3A = tpu.sem_alloc : memref<!tpu.dma_semaphore, #tpu.memory_space<semaphore_mem>>
        %dma_start3A = arith.constant 0 : i32
        %dma_start3A_186 = tpu.memref_slice %arg9[%add3A, %mul3A_185, %dma_start3A] : memref<8x10240x128xf32, #tpu.memory_space<hbm>> -> memref<1x640x128xf32, #tpu.memory_space<hbm>>
        %dma_start3A_187 = tpu.memref_squeeze %dma_start3A_186 : memref<1x640x128xf32, #tpu.memory_space<hbm>> -> memref<640x128xf32, #tpu.memory_space<hbm>>
        %dma_start3A_188 = arith.constant 0 : i32
        %dma_start3A_189 = tpu.memref_slice %arg11[%mul3A_183, %dma_start3A_188] : memref<10240x128xf32, #tpu.memory_space<vmem_shared>> -> memref<640x128xf32, #tpu.memory_space<vmem_shared>>
        tpu.enqueue_dma source(%dma_start3A_189 : memref<640x128xf32, #tpu.memory_space<vmem_shared>>) target(%dma_start3A_187 : memref<640x128xf32, #tpu.memory_space<hbm>>) target_semaphore(%run_scoped3A : memref<!tpu.dma_semaphore, #tpu.memory_space<semaphore_mem>>)
        %dma_wait3A = arith.constant 0 : i32
        %dma_wait3A_190 = tpu.memref_slice %arg9[%add3A, %mul3A_185, %dma_wait3A] : memref<8x10240x128xf32, #tpu.memory_space<hbm>> -> memref<1x640x128xf32, #tpu.memory_space<hbm>>
        %dma_wait3A_191 = tpu.memref_squeeze %dma_wait3A_190 : memref<1x640x128xf32, #tpu.memory_space<hbm>> -> memref<640x128xf32, #tpu.memory_space<hbm>>
        %dma_wait3A_192 = arith.constant 0 : i32
        %dma_wait3A_193 = tpu.memref_slice %arg11[%mul3A_183, %dma_wait3A_192] : memref<10240x128xf32, #tpu.memory_space<vmem_shared>> -> memref<640x128xf32, #tpu.memory_space<vmem_shared>>
        tpu.wait_dma2 semaphore(%run_scoped3A : memref<!tpu.dma_semaphore, #tpu.memory_space<semaphore_mem>>) src(%dma_wait3A_193 : memref<640x128xf32, #tpu.memory_space<vmem_shared>>) dst(%dma_wait3A_191 : memref<640x128xf32, #tpu.memory_space<hbm>>)
        tpu.yield
      }) : () -> ()
      "tpu.region"() ({
        %run_scoped3A = tpu.sem_alloc : memref<!tpu.dma_semaphore, #tpu.memory_space<semaphore_mem>>
        %dma_start3A = arith.constant 0 : i32
        %dma_start3A_186 = tpu.memref_slice %arg10[%add3A, %arg1, %dma_start3A] : memref<8x16x10240xf32, #tpu.memory_space<hbm>> -> memref<1x1x10240xf32, #tpu.memory_space<hbm>>
        %dma_start3A_187 = tpu.memref_squeeze %dma_start3A_186 : memref<1x1x10240xf32, #tpu.memory_space<hbm>> -> memref<10240xf32, #tpu.memory_space<hbm>>
        %dma_start3A_188 = arith.constant 0 : i32
        %dma_start3A_189 = tpu.memref_slice %arg10[%add3A, %arg1, %dma_start3A_188] : memref<8x16x10240xf32, #tpu.memory_space<hbm>> -> memref<1x1x10240xf32, #tpu.memory_space<hbm>>
        %dma_start3A_190 = tpu.memref_squeeze %dma_start3A_189 : memref<1x1x10240xf32, #tpu.memory_space<hbm>> -> memref<10240xf32, #tpu.memory_space<hbm>>
        tpu.enqueue_dma source(%arg14 : memref<10240xf32, #tpu.memory_space<vmem>>) target(%dma_start3A_190 : memref<10240xf32, #tpu.memory_space<hbm>>) target_semaphore(%run_scoped3A : memref<!tpu.dma_semaphore, #tpu.memory_space<semaphore_mem>>)
        %dma_wait3A = arith.constant 0 : i32
        %dma_wait3A_191 = tpu.memref_slice %arg10[%add3A, %arg1, %dma_wait3A] : memref<8x16x10240xf32, #tpu.memory_space<hbm>> -> memref<1x1x10240xf32, #tpu.memory_space<hbm>>
        %dma_wait3A_192 = tpu.memref_squeeze %dma_wait3A_191 : memref<1x1x10240xf32, #tpu.memory_space<hbm>> -> memref<10240xf32, #tpu.memory_space<hbm>>
        %dma_wait3A_193 = arith.constant 0 : i32
        %dma_wait3A_194 = tpu.memref_slice %arg10[%add3A, %arg1, %dma_wait3A_193] : memref<8x16x10240xf32, #tpu.memory_space<hbm>> -> memref<1x1x10240xf32, #tpu.memory_space<hbm>>
        %dma_wait3A_195 = tpu.memref_squeeze %dma_wait3A_194 : memref<1x1x10240xf32, #tpu.memory_space<hbm>> -> memref<10240xf32, #tpu.memory_space<hbm>>
        tpu.wait_dma2 semaphore(%run_scoped3A : memref<!tpu.dma_semaphore, #tpu.memory_space<semaphore_mem>>) src(%arg14 : memref<10240xf32, #tpu.memory_space<vmem>>) dst(%dma_wait3A_195 : memref<10240xf32, #tpu.memory_space<hbm>>)
        tpu.yield
      }) : () -> ()
    }
    %scan3A_5 = arith.constant 4 : i32
    return
  }
}

module attributes {stable_mosaic.version = 14 : i64} {
  func.func @_phase1_body(%arg0: i32, %arg1: memref<400x128xf32, #tpu.memory_space<vmem>>, %arg2: memref<1024x128xf32, #tpu.memory_space<vmem>>, %arg3: memref<1024x8xf32, #tpu.memory_space<vmem>>, %arg4: memref<1024x8xf32, #tpu.memory_space<vmem>>, %arg5: memref<400x1024xf32, #tpu.memory_space<vmem>>, %arg6: memref<400x8xf32, #tpu.memory_space<vmem>>, %arg7: memref<400x8xf32, #tpu.memory_space<vmem>>, %arg8: memref<8x8xf32, #tpu.memory_space<vmem>>, %arg9: memref<8x8xf32, #tpu.memory_space<vmem>>) attributes {dimension_semantics = [#tpu.dimension_semantics<arbitrary>], iteration_bounds = array<i64: 25>, scalar_prefetch = 0 : i64, scratch_operands = 0 : i64, tpu.core_type = #tpu.core_type<tc>, window_params = [{transform_indices = @transform_0, window_bounds = array<i64: 400, 128>}, {pipeline_mode = #tpu.pipeline_mode<synchronous>, transform_indices = @transform_1, window_bounds = array<i64: 1024, 128>}, {pipeline_mode = #tpu.pipeline_mode<synchronous>, transform_indices = @transform_2, window_bounds = array<i64: 1024, 8>}, {pipeline_mode = #tpu.pipeline_mode<synchronous>, transform_indices = @transform_3, window_bounds = array<i64: 1024, 8>}, {transform_indices = @transform_4, window_bounds = array<i64: 400, 1024>}, {transform_indices = @transform_5, window_bounds = array<i64: 400, 8>}, {transform_indices = @transform_6, window_bounds = array<i64: 400, 8>}, {pipeline_mode = #tpu.pipeline_mode<synchronous>, transform_indices = @transform_7, window_bounds = array<i64: 8, 8>}, {pipeline_mode = #tpu.pipeline_mode<synchronous>, transform_indices = @transform_8, window_bounds = array<i64: 8, 8>}]} {
    %get3A = arith.constant 0 : index
    %get3A_0 = arith.constant 0 : index
    %get3A_1 = vector.load %arg1[%get3A, %get3A_0] : memref<400x128xf32, #tpu.memory_space<vmem>>, vector<400x128xf32>
    %get3A_2 = arith.constant 0 : index
    %get3A_3 = arith.constant 0 : index
    %get3A_4 = vector.load %arg2[%get3A_2, %get3A_3] : memref<1024x128xf32, #tpu.memory_space<vmem>>, vector<1024x128xf32>
    %dot_general3A = arith.constant dense<0.000000e+00> : vector<400x1024xf32>
    %dot_general3A_5 = tpu.matmul %get3A_1, %get3A_4, %dot_general3A {dimension_numbers = #tpu.dot_dimension_numbers<[1], [1], [0], [0], [0, 0, 1, 0], [], []>, transpose_lhs_hint = false} : vector<400x128xf32>, vector<1024x128xf32>, vector<400x1024xf32> -> vector<400x1024xf32>
    %swap3A = arith.constant 0 : index
    %swap3A_6 = arith.constant 0 : index
    %swap3A_7 = vector.load %arg5[%swap3A, %swap3A_6] : memref<400x1024xf32, #tpu.memory_space<vmem>>, vector<400x1024xf32>
    tpu.vector_store %arg5[%swap3A, %swap3A_6], %dot_general3A_5 {strides = array<i32>} : memref<400x1024xf32, #tpu.memory_space<vmem>>, vector<400x1024xf32>,
    %get3A_8 = arith.constant 0 : index
    %get3A_9 = arith.constant 0 : index
    %get3A_10 = vector.load %arg3[%get3A_8, %get3A_9] : memref<1024x8xf32, #tpu.memory_space<vmem>>, vector<1024x8xf32>
    %dot_general3A_11 = arith.constant dense<0.000000e+00> : vector<400x8xf32>
    %dot_general3A_12 = tpu.matmul %dot_general3A_5, %get3A_10, %dot_general3A_11 {dimension_numbers = #tpu.dot_dimension_numbers<[1], [0], [0], [1], [0, 0, 1, 1], [], []>, transpose_lhs_hint = false} : vector<400x1024xf32>, vector<1024x8xf32>, vector<400x8xf32> -> vector<400x8xf32>
    %get3A_13 = arith.constant 0 : index
    %get3A_14 = arith.constant 0 : index
    %get3A_15 = vector.load %arg4[%get3A_13, %get3A_14] : memref<1024x8xf32, #tpu.memory_space<vmem>>, vector<1024x8xf32>
    %dot_general3A_16 = arith.constant dense<0.000000e+00> : vector<400x8xf32>
    %dot_general3A_17 = tpu.matmul %dot_general3A_5, %get3A_15, %dot_general3A_16 {dimension_numbers = #tpu.dot_dimension_numbers<[1], [0], [0], [1], [0, 0, 1, 1], [], []>, transpose_lhs_hint = false} : vector<400x1024xf32>, vector<1024x8xf32>, vector<400x8xf32> -> vector<400x8xf32>
    %swap3A_18 = arith.constant 0 : index
    %swap3A_19 = arith.constant 0 : index
    %swap3A_20 = vector.load %arg6[%swap3A_18, %swap3A_19] : memref<400x8xf32, #tpu.memory_space<vmem>>, vector<400x8xf32>
    tpu.vector_store %arg6[%swap3A_18, %swap3A_19], %dot_general3A_12 {strides = array<i32>} : memref<400x8xf32, #tpu.memory_space<vmem>>, vector<400x8xf32>,
    %swap3A_21 = arith.constant 0 : index
    %swap3A_22 = arith.constant 0 : index
    %swap3A_23 = vector.load %arg7[%swap3A_21, %swap3A_22] : memref<400x8xf32, #tpu.memory_space<vmem>>, vector<400x8xf32>
    tpu.vector_store %arg7[%swap3A_21, %swap3A_22], %dot_general3A_17 {strides = array<i32>} : memref<400x8xf32, #tpu.memory_space<vmem>>, vector<400x8xf32>,
    %reduce_max3A = arith.constant dense<0xFF800000> : vector<8xf32>
    %reduce_max3A_24 = vector.multi_reduction <maximumf>, %dot_general3A_12, %reduce_max3A [0] : vector<400x8xf32> to vector<8xf32>
    %broadcast_in_dim3A = vector.shape_cast %reduce_max3A_24 : vector<8xf32> to vector<1x8xf32>
    %broadcast_in_dim3A_25 = vector.shape_cast %broadcast_in_dim3A : vector<1x8xf32> to vector<1x8xf32>
    %broadcast_in_dim3A_26 = vector.broadcast %broadcast_in_dim3A_25 : vector<1x8xf32> to vector<8x8xf32>
    %reduce_max3A_27 = arith.constant dense<0xFF800000> : vector<8xf32>
    %reduce_max3A_28 = vector.multi_reduction <maximumf>, %dot_general3A_17, %reduce_max3A_27 [0] : vector<400x8xf32> to vector<8xf32>
    %broadcast_in_dim3A_29 = vector.shape_cast %reduce_max3A_28 : vector<8xf32> to vector<1x8xf32>
    %broadcast_in_dim3A_30 = vector.shape_cast %broadcast_in_dim3A_29 : vector<1x8xf32> to vector<1x8xf32>
    %broadcast_in_dim3A_31 = vector.broadcast %broadcast_in_dim3A_30 : vector<1x8xf32> to vector<8x8xf32>
    %eq3A = arith.constant 0 : i32
    %eq3A_32 = arith.cmpi eq, %arg0, %eq3A : i32
    %convert_element_type3A = arith.extui %eq3A_32 : i1 to i32
    %cond3A = arith.constant 0 : i32
    %cond3A_33 = arith.cmpi ne, %convert_element_type3A, %cond3A : i32
    scf.if %cond3A_33 {
      %swap3A_38 = arith.constant 0 : index
      %swap3A_39 = arith.constant 0 : index
      %swap3A_40 = vector.load %arg8[%swap3A_38, %swap3A_39] : memref<8x8xf32, #tpu.memory_space<vmem>>, vector<8x8xf32>
      tpu.vector_store %arg8[%swap3A_38, %swap3A_39], %broadcast_in_dim3A_26 {strides = array<i32>} : memref<8x8xf32, #tpu.memory_space<vmem>>, vector<8x8xf32>,
      %swap3A_41 = arith.constant 0 : index
      %swap3A_42 = arith.constant 0 : index
      %swap3A_43 = vector.load %arg9[%swap3A_41, %swap3A_42] : memref<8x8xf32, #tpu.memory_space<vmem>>, vector<8x8xf32>
      tpu.vector_store %arg9[%swap3A_41, %swap3A_42], %broadcast_in_dim3A_31 {strides = array<i32>} : memref<8x8xf32, #tpu.memory_space<vmem>>, vector<8x8xf32>,
    } else {
    }
    %gt3A = arith.constant 0 : i32
    %gt3A_34 = arith.cmpi sgt, %arg0, %gt3A : i32
    %convert_element_type3A_35 = arith.extui %gt3A_34 : i1 to i32
    %cond3A_36 = arith.constant 0 : i32
    %cond3A_37 = arith.cmpi ne, %convert_element_type3A_35, %cond3A_36 : i32
    scf.if %cond3A_37 {
      %get3A_38 = arith.constant 0 : index
      %get3A_39 = arith.constant 0 : index
      %get3A_40 = vector.load %arg8[%get3A_38, %get3A_39] : memref<8x8xf32, #tpu.memory_space<vmem>>, vector<8x8xf32>
      %max3A = arith.maximumf %get3A_40, %broadcast_in_dim3A_26 : vector<8x8xf32>
      %swap3A_41 = arith.constant 0 : index
      %swap3A_42 = arith.constant 0 : index
      %swap3A_43 = vector.load %arg8[%swap3A_41, %swap3A_42] : memref<8x8xf32, #tpu.memory_space<vmem>>, vector<8x8xf32>
      tpu.vector_store %arg8[%swap3A_41, %swap3A_42], %max3A {strides = array<i32>} : memref<8x8xf32, #tpu.memory_space<vmem>>, vector<8x8xf32>,
      %get3A_44 = arith.constant 0 : index
      %get3A_45 = arith.constant 0 : index
      %get3A_46 = vector.load %arg9[%get3A_44, %get3A_45] : memref<8x8xf32, #tpu.memory_space<vmem>>, vector<8x8xf32>
      %max3A_47 = arith.maximumf %get3A_46, %broadcast_in_dim3A_31 : vector<8x8xf32>
      %swap3A_48 = arith.constant 0 : index
      %swap3A_49 = arith.constant 0 : index
      %swap3A_50 = vector.load %arg9[%swap3A_48, %swap3A_49] : memref<8x8xf32, #tpu.memory_space<vmem>>, vector<8x8xf32>
      tpu.vector_store %arg9[%swap3A_48, %swap3A_49], %max3A_47 {strides = array<i32>} : memref<8x8xf32, #tpu.memory_space<vmem>>, vector<8x8xf32>,
    } else {
    }
    return
  }
  func.func @transform_0(%arg0: i32) -> (i32, i32) {
    %c0_i32 = arith.constant 0 : i32
    %c0_i32_0 = arith.constant 0 : i32
    return %arg0, %c0_i32 : i32, i32
  }
  func.func @transform_1(%arg0: i32) -> (i32, i32) {
    %c0_i32 = arith.constant 0 : i32
    %c0_i32_0 = arith.constant 0 : i32
    %c0_i32_1 = arith.constant 0 : i32
    return %c0_i32, %c0_i32_0 : i32, i32
  }
  func.func @transform_2(%arg0: i32) -> (i32, i32) {
    %c0_i32 = arith.constant 0 : i32
    %c0_i32_0 = arith.constant 0 : i32
    %c0_i32_1 = arith.constant 0 : i32
    return %c0_i32, %c0_i32_0 : i32, i32
  }
  func.func @transform_3(%arg0: i32) -> (i32, i32) {
    %c0_i32 = arith.constant 0 : i32
    %c0_i32_0 = arith.constant 0 : i32
    %c0_i32_1 = arith.constant 0 : i32
    return %c0_i32, %c0_i32_0 : i32, i32
  }
  func.func @transform_4(%arg0: i32) -> (i32, i32) {
    %c0_i32 = arith.constant 0 : i32
    %c0_i32_0 = arith.constant 0 : i32
    return %arg0, %c0_i32 : i32, i32
  }
  func.func @transform_5(%arg0: i32) -> (i32, i32) {
    %c0_i32 = arith.constant 0 : i32
    %c0_i32_0 = arith.constant 0 : i32
    return %arg0, %c0_i32 : i32, i32
  }
  func.func @transform_6(%arg0: i32) -> (i32, i32) {
    %c0_i32 = arith.constant 0 : i32
    %c0_i32_0 = arith.constant 0 : i32
    return %arg0, %c0_i32 : i32, i32
  }
  func.func @transform_7(%arg0: i32) -> (i32, i32) {
    %c0_i32 = arith.constant 0 : i32
    %c0_i32_0 = arith.constant 0 : i32
    %c0_i32_1 = arith.constant 0 : i32
    return %c0_i32, %c0_i32_0 : i32, i32
  }
  func.func @transform_8(%arg0: i32) -> (i32, i32) {
    %c0_i32 = arith.constant 0 : i32
    %c0_i32_0 = arith.constant 0 : i32
    %c0_i32_1 = arith.constant 0 : i32
    return %c0_i32, %c0_i32_0 : i32, i32
  }
}

module attributes {stable_mosaic.version = 14 : i64} {
  func.func @_phase3_body(%arg0: i32, %arg1: memref<8x400x128xf32, #tpu.memory_space<vmem>>, %arg2: memref<400x8xf32, #tpu.memory_space<vmem>>, %arg3: memref<400x128xf32, #tpu.memory_space<vmem>>, %arg4: memref<384x1024xf32, #tpu.memory_space<vmem>>, %arg5: memref<384x128xf32, #tpu.memory_space<vmem>>, %arg6: memref<1x384xf32, #tpu.memory_space<vmem>>, %arg7: memref<1x384xf32, #tpu.memory_space<vmem>>, %arg8: memref<1x1024xf32, #tpu.memory_space<vmem>>, %arg9: memref<400x128xf32, #tpu.memory_space<vmem>>) attributes {dimension_semantics = [#tpu.dimension_semantics<arbitrary>], iteration_bounds = array<i64: 25>, scalar_prefetch = 0 : i64, scratch_operands = 0 : i64, tpu.core_type = #tpu.core_type<tc>, window_params = [{transform_indices = @transform_0, window_bounds = array<i64: 8, 400, 128>}, {transform_indices = @transform_1, window_bounds = array<i64: 400, 8>}, {transform_indices = @transform_2, window_bounds = array<i64: 400, 128>}, {pipeline_mode = #tpu.pipeline_mode<synchronous>, transform_indices = @transform_3, window_bounds = array<i64: 384, 1024>}, {pipeline_mode = #tpu.pipeline_mode<synchronous>, transform_indices = @transform_4, window_bounds = array<i64: 384, 128>}, {pipeline_mode = #tpu.pipeline_mode<synchronous>, transform_indices = @transform_5, window_bounds = array<i64: 1, 384>}, {pipeline_mode = #tpu.pipeline_mode<synchronous>, transform_indices = @transform_6, window_bounds = array<i64: 1, 384>}, {pipeline_mode = #tpu.pipeline_mode<synchronous>, transform_indices = @transform_7, window_bounds = array<i64: 1, 1024>}, {transform_indices = @transform_8, window_bounds = array<i64: 400, 128>}]} {
    %get3A = arith.constant 0 : index
    %get3A_0 = arith.constant 0 : index
    %get3A_1 = vector.load %arg3[%get3A, %get3A_0] : memref<400x128xf32, #tpu.memory_space<vmem>>, vector<400x128xf32>
    %get3A_2 = arith.constant 0 : index
    %get3A_3 = arith.constant 0 : index
    %get3A_4 = vector.load %arg2[%get3A_2, %get3A_3] : memref<400x8xf32, #tpu.memory_space<vmem>>, vector<400x8xf32>
    %eq3A = arith.constant 0.000000e+00 : f32
    %eq3A_5 = vector.broadcast %eq3A : f32 to vector<400x8xf32>
    %eq3A_6 = arith.cmpf oeq, %get3A_4, %eq3A_5 : vector<400x8xf32>
    %jit3A = arith.constant 1.000000e+00 : f32
    %broadcast_in_dim3A = vector.broadcast %jit3A : f32 to vector<400x8xf32>
    %select_n3A = arith.select %eq3A_6, %broadcast_in_dim3A, %get3A_4 : vector<400x8xi1>, vector<400x8xf32>
    %broadcast_in_dim3A_7 = arith.constant 0.000000e+00 : f32
    %broadcast_in_dim3A_8 = vector.broadcast %broadcast_in_dim3A_7 : f32 to vector<400x384xf32>
    %get3A_9 = arith.constant 0 : index
    %get3A_10 = arith.constant 0 : index
    %get3A_11 = arith.constant 0 : index
    %get3A_12 = vector.load %arg1[%get3A_9, %get3A_10, %get3A_11] : memref<8x400x128xf32, #tpu.memory_space<vmem>>, vector<1x400x128xf32>
    %get3A_13 = vector.shape_cast %get3A_12 : vector<1x400x128xf32> to vector<400x128xf32>
    %slice3A = vector.extract_strided_slice %select_n3A {offsets = [0, 0], sizes = [400, 1], strides = [1, 1]} : vector<400x8xf32> to vector<400x1xf32>
    %div3A = vector.broadcast %slice3A : vector<400x1xf32> to vector<400x128xf32>
    %div3A_14 = arith.divf %get3A_13, %div3A : vector<400x128xf32>
    %get3A_15 = arith.constant 0 : index
    %get3A_16 = arith.constant 0 : index
    %get3A_17 = vector.load %arg8[%get3A_15, %get3A_16] : memref<1x1024xf32, #tpu.memory_space<vmem>>, vector<1x128xf32>
    %add3A = vector.broadcast %get3A_17 : vector<1x128xf32> to vector<400x128xf32>
    %add3A_18 = arith.addf %div3A_14, %add3A : vector<400x128xf32>
    %get3A_19 = arith.constant 0 : index
    %get3A_20 = arith.constant 0 : index
    %get3A_21 = vector.load %arg4[%get3A_19, %get3A_20] : memref<384x1024xf32, #tpu.memory_space<vmem>>, vector<384x128xf32>
    %dot_general3A = arith.constant dense<0.000000e+00> : vector<400x384xf32>
    %dot_general3A_22 = tpu.matmul %add3A_18, %get3A_21, %dot_general3A {dimension_numbers = #tpu.dot_dimension_numbers<[1], [1], [0], [0], [0, 0, 1, 0], [], []>, transpose_lhs_hint = false} : vector<400x128xf32>, vector<384x128xf32>, vector<400x384xf32> -> vector<400x384xf32>
    %add3A_23 = arith.addf %broadcast_in_dim3A_8, %dot_general3A_22 : vector<400x384xf32>
    %get3A_24 = arith.constant 1 : index
    %get3A_25 = arith.constant 0 : index
    %get3A_26 = arith.constant 0 : index
    %get3A_27 = vector.load %arg1[%get3A_24, %get3A_25, %get3A_26] : memref<8x400x128xf32, #tpu.memory_space<vmem>>, vector<1x400x128xf32>
    %get3A_28 = vector.shape_cast %get3A_27 : vector<1x400x128xf32> to vector<400x128xf32>
    %slice3A_29 = vector.extract_strided_slice %select_n3A {offsets = [0, 1], sizes = [400, 1], strides = [1, 1]} : vector<400x8xf32> to vector<400x1xf32>
    %div3A_30 = vector.broadcast %slice3A_29 : vector<400x1xf32> to vector<400x128xf32>
    %div3A_31 = arith.divf %get3A_28, %div3A_30 : vector<400x128xf32>
    %get3A_32 = arith.constant 0 : index
    %get3A_33 = arith.constant 128 : index
    %get3A_34 = vector.load %arg8[%get3A_32, %get3A_33] : memref<1x1024xf32, #tpu.memory_space<vmem>>, vector<1x128xf32>
    %add3A_35 = vector.broadcast %get3A_34 : vector<1x128xf32> to vector<400x128xf32>
    %add3A_36 = arith.addf %div3A_31, %add3A_35 : vector<400x128xf32>
    %get3A_37 = arith.constant 0 : index
    %get3A_38 = arith.constant 128 : index
    %get3A_39 = vector.load %arg4[%get3A_37, %get3A_38] : memref<384x1024xf32, #tpu.memory_space<vmem>>, vector<384x128xf32>
    %dot_general3A_40 = arith.constant dense<0.000000e+00> : vector<400x384xf32>
    %dot_general3A_41 = tpu.matmul %add3A_36, %get3A_39, %dot_general3A_40 {dimension_numbers = #tpu.dot_dimension_numbers<[1], [1], [0], [0], [0, 0, 1, 0], [], []>, transpose_lhs_hint = false} : vector<400x128xf32>, vector<384x128xf32>, vector<400x384xf32> -> vector<400x384xf32>
    %add3A_42 = arith.addf %add3A_23, %dot_general3A_41 : vector<400x384xf32>
    %get3A_43 = arith.constant 2 : index
    %get3A_44 = arith.constant 0 : index
    %get3A_45 = arith.constant 0 : index
    %get3A_46 = vector.load %arg1[%get3A_43, %get3A_44, %get3A_45] : memref<8x400x128xf32, #tpu.memory_space<vmem>>, vector<1x400x128xf32>
    %get3A_47 = vector.shape_cast %get3A_46 : vector<1x400x128xf32> to vector<400x128xf32>
    %slice3A_48 = vector.extract_strided_slice %select_n3A {offsets = [0, 2], sizes = [400, 1], strides = [1, 1]} : vector<400x8xf32> to vector<400x1xf32>
    %div3A_49 = vector.broadcast %slice3A_48 : vector<400x1xf32> to vector<400x128xf32>
    %div3A_50 = arith.divf %get3A_47, %div3A_49 : vector<400x128xf32>
    %get3A_51 = arith.constant 0 : index
    %get3A_52 = arith.constant 256 : index
    %get3A_53 = vector.load %arg8[%get3A_51, %get3A_52] : memref<1x1024xf32, #tpu.memory_space<vmem>>, vector<1x128xf32>
    %add3A_54 = vector.broadcast %get3A_53 : vector<1x128xf32> to vector<400x128xf32>
    %add3A_55 = arith.addf %div3A_50, %add3A_54 : vector<400x128xf32>
    %get3A_56 = arith.constant 0 : index
    %get3A_57 = arith.constant 256 : index
    %get3A_58 = vector.load %arg4[%get3A_56, %get3A_57] : memref<384x1024xf32, #tpu.memory_space<vmem>>, vector<384x128xf32>
    %dot_general3A_59 = arith.constant dense<0.000000e+00> : vector<400x384xf32>
    %dot_general3A_60 = tpu.matmul %add3A_55, %get3A_58, %dot_general3A_59 {dimension_numbers = #tpu.dot_dimension_numbers<[1], [1], [0], [0], [0, 0, 1, 0], [], []>, transpose_lhs_hint = false} : vector<400x128xf32>, vector<384x128xf32>, vector<400x384xf32> -> vector<400x384xf32>
    %add3A_61 = arith.addf %add3A_42, %dot_general3A_60 : vector<400x384xf32>
    %get3A_62 = arith.constant 3 : index
    %get3A_63 = arith.constant 0 : index
    %get3A_64 = arith.constant 0 : index
    %get3A_65 = vector.load %arg1[%get3A_62, %get3A_63, %get3A_64] : memref<8x400x128xf32, #tpu.memory_space<vmem>>, vector<1x400x128xf32>
    %get3A_66 = vector.shape_cast %get3A_65 : vector<1x400x128xf32> to vector<400x128xf32>
    %slice3A_67 = vector.extract_strided_slice %select_n3A {offsets = [0, 3], sizes = [400, 1], strides = [1, 1]} : vector<400x8xf32> to vector<400x1xf32>
    %div3A_68 = vector.broadcast %slice3A_67 : vector<400x1xf32> to vector<400x128xf32>
    %div3A_69 = arith.divf %get3A_66, %div3A_68 : vector<400x128xf32>
    %get3A_70 = arith.constant 0 : index
    %get3A_71 = arith.constant 384 : index
    %get3A_72 = vector.load %arg8[%get3A_70, %get3A_71] : memref<1x1024xf32, #tpu.memory_space<vmem>>, vector<1x128xf32>
    %add3A_73 = vector.broadcast %get3A_72 : vector<1x128xf32> to vector<400x128xf32>
    %add3A_74 = arith.addf %div3A_69, %add3A_73 : vector<400x128xf32>
    %get3A_75 = arith.constant 0 : index
    %get3A_76 = arith.constant 384 : index
    %get3A_77 = vector.load %arg4[%get3A_75, %get3A_76] : memref<384x1024xf32, #tpu.memory_space<vmem>>, vector<384x128xf32>
    %dot_general3A_78 = arith.constant dense<0.000000e+00> : vector<400x384xf32>
    %dot_general3A_79 = tpu.matmul %add3A_74, %get3A_77, %dot_general3A_78 {dimension_numbers = #tpu.dot_dimension_numbers<[1], [1], [0], [0], [0, 0, 1, 0], [], []>, transpose_lhs_hint = false} : vector<400x128xf32>, vector<384x128xf32>, vector<400x384xf32> -> vector<400x384xf32>
    %add3A_80 = arith.addf %add3A_61, %dot_general3A_79 : vector<400x384xf32>
    %get3A_81 = arith.constant 4 : index
    %get3A_82 = arith.constant 0 : index
    %get3A_83 = arith.constant 0 : index
    %get3A_84 = vector.load %arg1[%get3A_81, %get3A_82, %get3A_83] : memref<8x400x128xf32, #tpu.memory_space<vmem>>, vector<1x400x128xf32>
    %get3A_85 = vector.shape_cast %get3A_84 : vector<1x400x128xf32> to vector<400x128xf32>
    %slice3A_86 = vector.extract_strided_slice %select_n3A {offsets = [0, 4], sizes = [400, 1], strides = [1, 1]} : vector<400x8xf32> to vector<400x1xf32>
    %div3A_87 = vector.broadcast %slice3A_86 : vector<400x1xf32> to vector<400x128xf32>
    %div3A_88 = arith.divf %get3A_85, %div3A_87 : vector<400x128xf32>
    %get3A_89 = arith.constant 0 : index
    %get3A_90 = arith.constant 512 : index
    %get3A_91 = vector.load %arg8[%get3A_89, %get3A_90] : memref<1x1024xf32, #tpu.memory_space<vmem>>, vector<1x128xf32>
    %add3A_92 = vector.broadcast %get3A_91 : vector<1x128xf32> to vector<400x128xf32>
    %add3A_93 = arith.addf %div3A_88, %add3A_92 : vector<400x128xf32>
    %get3A_94 = arith.constant 0 : index
    %get3A_95 = arith.constant 512 : index
    %get3A_96 = vector.load %arg4[%get3A_94, %get3A_95] : memref<384x1024xf32, #tpu.memory_space<vmem>>, vector<384x128xf32>
    %dot_general3A_97 = arith.constant dense<0.000000e+00> : vector<400x384xf32>
    %dot_general3A_98 = tpu.matmul %add3A_93, %get3A_96, %dot_general3A_97 {dimension_numbers = #tpu.dot_dimension_numbers<[1], [1], [0], [0], [0, 0, 1, 0], [], []>, transpose_lhs_hint = false} : vector<400x128xf32>, vector<384x128xf32>, vector<400x384xf32> -> vector<400x384xf32>
    %add3A_99 = arith.addf %add3A_80, %dot_general3A_98 : vector<400x384xf32>
    %get3A_100 = arith.constant 5 : index
    %get3A_101 = arith.constant 0 : index
    %get3A_102 = arith.constant 0 : index
    %get3A_103 = vector.load %arg1[%get3A_100, %get3A_101, %get3A_102] : memref<8x400x128xf32, #tpu.memory_space<vmem>>, vector<1x400x128xf32>
    %get3A_104 = vector.shape_cast %get3A_103 : vector<1x400x128xf32> to vector<400x128xf32>
    %slice3A_105 = vector.extract_strided_slice %select_n3A {offsets = [0, 5], sizes = [400, 1], strides = [1, 1]} : vector<400x8xf32> to vector<400x1xf32>
    %div3A_106 = vector.broadcast %slice3A_105 : vector<400x1xf32> to vector<400x128xf32>
    %div3A_107 = arith.divf %get3A_104, %div3A_106 : vector<400x128xf32>
    %get3A_108 = arith.constant 0 : index
    %get3A_109 = arith.constant 640 : index
    %get3A_110 = vector.load %arg8[%get3A_108, %get3A_109] : memref<1x1024xf32, #tpu.memory_space<vmem>>, vector<1x128xf32>
    %add3A_111 = vector.broadcast %get3A_110 : vector<1x128xf32> to vector<400x128xf32>
    %add3A_112 = arith.addf %div3A_107, %add3A_111 : vector<400x128xf32>
    %get3A_113 = arith.constant 0 : index
    %get3A_114 = arith.constant 640 : index
    %get3A_115 = vector.load %arg4[%get3A_113, %get3A_114] : memref<384x1024xf32, #tpu.memory_space<vmem>>, vector<384x128xf32>
    %dot_general3A_116 = arith.constant dense<0.000000e+00> : vector<400x384xf32>
    %dot_general3A_117 = tpu.matmul %add3A_112, %get3A_115, %dot_general3A_116 {dimension_numbers = #tpu.dot_dimension_numbers<[1], [1], [0], [0], [0, 0, 1, 0], [], []>, transpose_lhs_hint = false} : vector<400x128xf32>, vector<384x128xf32>, vector<400x384xf32> -> vector<400x384xf32>
    %add3A_118 = arith.addf %add3A_99, %dot_general3A_117 : vector<400x384xf32>
    %get3A_119 = arith.constant 6 : index
    %get3A_120 = arith.constant 0 : index
    %get3A_121 = arith.constant 0 : index
    %get3A_122 = vector.load %arg1[%get3A_119, %get3A_120, %get3A_121] : memref<8x400x128xf32, #tpu.memory_space<vmem>>, vector<1x400x128xf32>
    %get3A_123 = vector.shape_cast %get3A_122 : vector<1x400x128xf32> to vector<400x128xf32>
    %slice3A_124 = vector.extract_strided_slice %select_n3A {offsets = [0, 6], sizes = [400, 1], strides = [1, 1]} : vector<400x8xf32> to vector<400x1xf32>
    %div3A_125 = vector.broadcast %slice3A_124 : vector<400x1xf32> to vector<400x128xf32>
    %div3A_126 = arith.divf %get3A_123, %div3A_125 : vector<400x128xf32>
    %get3A_127 = arith.constant 0 : index
    %get3A_128 = arith.constant 768 : index
    %get3A_129 = vector.load %arg8[%get3A_127, %get3A_128] : memref<1x1024xf32, #tpu.memory_space<vmem>>, vector<1x128xf32>
    %add3A_130 = vector.broadcast %get3A_129 : vector<1x128xf32> to vector<400x128xf32>
    %add3A_131 = arith.addf %div3A_126, %add3A_130 : vector<400x128xf32>
    %get3A_132 = arith.constant 0 : index
    %get3A_133 = arith.constant 768 : index
    %get3A_134 = vector.load %arg4[%get3A_132, %get3A_133] : memref<384x1024xf32, #tpu.memory_space<vmem>>, vector<384x128xf32>
    %dot_general3A_135 = arith.constant dense<0.000000e+00> : vector<400x384xf32>
    %dot_general3A_136 = tpu.matmul %add3A_131, %get3A_134, %dot_general3A_135 {dimension_numbers = #tpu.dot_dimension_numbers<[1], [1], [0], [0], [0, 0, 1, 0], [], []>, transpose_lhs_hint = false} : vector<400x128xf32>, vector<384x128xf32>, vector<400x384xf32> -> vector<400x384xf32>
    %add3A_137 = arith.addf %add3A_118, %dot_general3A_136 : vector<400x384xf32>
    %get3A_138 = arith.constant 7 : index
    %get3A_139 = arith.constant 0 : index
    %get3A_140 = arith.constant 0 : index
    %get3A_141 = vector.load %arg1[%get3A_138, %get3A_139, %get3A_140] : memref<8x400x128xf32, #tpu.memory_space<vmem>>, vector<1x400x128xf32>
    %get3A_142 = vector.shape_cast %get3A_141 : vector<1x400x128xf32> to vector<400x128xf32>
    %slice3A_143 = vector.extract_strided_slice %select_n3A {offsets = [0, 7], sizes = [400, 1], strides = [1, 1]} : vector<400x8xf32> to vector<400x1xf32>
    %div3A_144 = vector.broadcast %slice3A_143 : vector<400x1xf32> to vector<400x128xf32>
    %div3A_145 = arith.divf %get3A_142, %div3A_144 : vector<400x128xf32>
    %get3A_146 = arith.constant 0 : index
    %get3A_147 = arith.constant 896 : index
    %get3A_148 = vector.load %arg8[%get3A_146, %get3A_147] : memref<1x1024xf32, #tpu.memory_space<vmem>>, vector<1x128xf32>
    %add3A_149 = vector.broadcast %get3A_148 : vector<1x128xf32> to vector<400x128xf32>
    %add3A_150 = arith.addf %div3A_145, %add3A_149 : vector<400x128xf32>
    %get3A_151 = arith.constant 0 : index
    %get3A_152 = arith.constant 896 : index
    %get3A_153 = vector.load %arg4[%get3A_151, %get3A_152] : memref<384x1024xf32, #tpu.memory_space<vmem>>, vector<384x128xf32>
    %dot_general3A_154 = arith.constant dense<0.000000e+00> : vector<400x384xf32>
    %dot_general3A_155 = tpu.matmul %add3A_150, %get3A_153, %dot_general3A_154 {dimension_numbers = #tpu.dot_dimension_numbers<[1], [1], [0], [0], [0, 0, 1, 0], [], []>, transpose_lhs_hint = false} : vector<400x128xf32>, vector<384x128xf32>, vector<400x384xf32> -> vector<400x384xf32>
    %add3A_156 = arith.addf %add3A_137, %dot_general3A_155 : vector<400x384xf32>
    %get3A_157 = arith.constant 0 : index
    %get3A_158 = arith.constant 0 : index
    %get3A_159 = vector.load %arg6[%get3A_157, %get3A_158] : memref<1x384xf32, #tpu.memory_space<vmem>>, vector<1x384xf32>
    %add3A_160 = vector.broadcast %get3A_159 : vector<1x384xf32> to vector<400x384xf32>
    %add3A_161 = arith.addf %add3A_156, %add3A_160 : vector<400x384xf32>
    %get3A_162 = arith.constant 0 : index
    %get3A_163 = arith.constant 0 : index
    %get3A_164 = vector.load %arg5[%get3A_162, %get3A_163] : memref<384x128xf32, #tpu.memory_space<vmem>>, vector<384x128xf32>
    %dot_general3A_165 = arith.constant dense<0.000000e+00> : vector<400x384xf32>
    %dot_general3A_166 = tpu.matmul %get3A_1, %get3A_164, %dot_general3A_165 {dimension_numbers = #tpu.dot_dimension_numbers<[1], [1], [0], [0], [0, 0, 1, 0], [], []>, transpose_lhs_hint = false} : vector<400x128xf32>, vector<384x128xf32>, vector<400x384xf32> -> vector<400x384xf32>
    %get3A_167 = arith.constant 0 : index
    %get3A_168 = arith.constant 0 : index
    %get3A_169 = vector.load %arg7[%get3A_167, %get3A_168] : memref<1x384xf32, #tpu.memory_space<vmem>>, vector<1x384xf32>
    %add3A_170 = vector.broadcast %get3A_169 : vector<1x384xf32> to vector<400x384xf32>
    %add3A_171 = arith.addf %dot_general3A_166, %add3A_170 : vector<400x384xf32>
    %slice3A_172 = vector.extract_strided_slice %add3A_161 {offsets = [0, 0], sizes = [400, 128], strides = [1, 1]} : vector<400x384xf32> to vector<400x128xf32>
    %slice3A_173 = vector.extract_strided_slice %add3A_161 {offsets = [0, 128], sizes = [400, 128], strides = [1, 1]} : vector<400x384xf32> to vector<400x128xf32>
    %slice3A_174 = vector.extract_strided_slice %add3A_161 {offsets = [0, 256], sizes = [400, 128], strides = [1, 1]} : vector<400x384xf32> to vector<400x128xf32>
    %slice3A_175 = vector.extract_strided_slice %add3A_171 {offsets = [0, 0], sizes = [400, 128], strides = [1, 1]} : vector<400x384xf32> to vector<400x128xf32>
    %slice3A_176 = vector.extract_strided_slice %add3A_171 {offsets = [0, 128], sizes = [400, 128], strides = [1, 1]} : vector<400x384xf32> to vector<400x128xf32>
    %slice3A_177 = vector.extract_strided_slice %add3A_171 {offsets = [0, 256], sizes = [400, 128], strides = [1, 1]} : vector<400x384xf32> to vector<400x128xf32>
    %add3A_178 = arith.addf %slice3A_172, %slice3A_175 : vector<400x128xf32>
    %logistic3A = arith.negf %add3A_178 : vector<400x128xf32>
    %logistic3A_179 = math.exp %logistic3A : vector<400x128xf32>
    %logistic3A_180 = arith.constant 1.000000e+00 : f32
    %logistic3A_181 = vector.broadcast %logistic3A_180 : f32 to vector<400x128xf32>
    %logistic3A_182 = arith.addf %logistic3A_181, %logistic3A_179 : vector<400x128xf32>
    %logistic3A_183 = arith.divf %logistic3A_181, %logistic3A_182 : vector<400x128xf32>
    %add3A_184 = arith.addf %slice3A_173, %slice3A_176 : vector<400x128xf32>
    %logistic3A_185 = arith.negf %add3A_184 : vector<400x128xf32>
    %logistic3A_186 = math.exp %logistic3A_185 : vector<400x128xf32>
    %logistic3A_187 = arith.constant 1.000000e+00 : f32
    %logistic3A_188 = vector.broadcast %logistic3A_187 : f32 to vector<400x128xf32>
    %logistic3A_189 = arith.addf %logistic3A_188, %logistic3A_186 : vector<400x128xf32>
    %logistic3A_190 = arith.divf %logistic3A_188, %logistic3A_189 : vector<400x128xf32>
    %mul3A = arith.mulf %logistic3A_183, %slice3A_177 : vector<400x128xf32>
    %add3A_191 = arith.addf %slice3A_174, %mul3A : vector<400x128xf32>
    %tanh3A = math.tanh %add3A_191 : vector<400x128xf32>
    %sub3A = arith.constant 1.000000e+00 : f32
    %sub3A_192 = vector.broadcast %sub3A : f32 to vector<400x128xf32>
    %sub3A_193 = arith.subf %sub3A_192, %logistic3A_190 : vector<400x128xf32>
    %mul3A_194 = arith.mulf %sub3A_193, %tanh3A : vector<400x128xf32>
    %mul3A_195 = arith.mulf %logistic3A_190, %get3A_1 : vector<400x128xf32>
    %add3A_196 = arith.addf %mul3A_194, %mul3A_195 : vector<400x128xf32>
    %gt3A = arith.constant 0.000000e+00 : f32
    %gt3A_197 = vector.broadcast %gt3A : f32 to vector<400x128xf32>
    %gt3A_198 = arith.cmpf ogt, %add3A_196, %gt3A_197 : vector<400x128xf32>
    %exp3A = math.exp %add3A_196 : vector<400x128xf32>
    %sub3A_199 = arith.constant 1.000000e+00 : f32
    %sub3A_200 = vector.broadcast %sub3A_199 : f32 to vector<400x128xf32>
    %sub3A_201 = arith.subf %exp3A, %sub3A_200 : vector<400x128xf32>
    %select_n3A_202 = arith.select %gt3A_198, %add3A_196, %sub3A_201 : vector<400x128xi1>, vector<400x128xf32>
    %swap3A = arith.constant 0 : index
    %swap3A_203 = arith.constant 0 : index
    %swap3A_204 = vector.load %arg9[%swap3A, %swap3A_203] : memref<400x128xf32, #tpu.memory_space<vmem>>, vector<400x128xf32>
    tpu.vector_store %arg9[%swap3A, %swap3A_203], %select_n3A_202 {strides = array<i32>} : memref<400x128xf32, #tpu.memory_space<vmem>>, vector<400x128xf32>,
    return
  }
  func.func @transform_0(%arg0: i32) -> (i32, i32, i32) {
    %c0_i32 = arith.constant 0 : i32
    %c0_i32_0 = arith.constant 0 : i32
    %c0_i32_1 = arith.constant 0 : i32
    return %c0_i32, %arg0, %c0_i32_0 : i32, i32, i32
  }
  func.func @transform_1(%arg0: i32) -> (i32, i32) {
    %c0_i32 = arith.constant 0 : i32
    %c0_i32_0 = arith.constant 0 : i32
    return %arg0, %c0_i32 : i32, i32
  }
  func.func @transform_2(%arg0: i32) -> (i32, i32) {
    %c0_i32 = arith.constant 0 : i32
    %c0_i32_0 = arith.constant 0 : i32
    return %arg0, %c0_i32 : i32, i32
  }
  func.func @transform_3(%arg0: i32) -> (i32, i32) {
    %c0_i32 = arith.constant 0 : i32
    %c0_i32_0 = arith.constant 0 : i32
    %c0_i32_1 = arith.constant 0 : i32
    return %c0_i32, %c0_i32_0 : i32, i32
  }
  func.func @transform_4(%arg0: i32) -> (i32, i32) {
    %c0_i32 = arith.constant 0 : i32
    %c0_i32_0 = arith.constant 0 : i32
    %c0_i32_1 = arith.constant 0 : i32
    return %c0_i32, %c0_i32_0 : i32, i32
  }
  func.func @transform_5(%arg0: i32) -> (i32, i32) {
    %c0_i32 = arith.constant 0 : i32
    %c0_i32_0 = arith.constant 0 : i32
    %c0_i32_1 = arith.constant 0 : i32
    return %c0_i32, %c0_i32_0 : i32, i32
  }
  func.func @transform_6(%arg0: i32) -> (i32, i32) {
    %c0_i32 = arith.constant 0 : i32
    %c0_i32_0 = arith.constant 0 : i32
    %c0_i32_1 = arith.constant 0 : i32
    return %c0_i32, %c0_i32_0 : i32, i32
  }
  func.func @transform_7(%arg0: i32) -> (i32, i32) {
    %c0_i32 = arith.constant 0 : i32
    %c0_i32_0 = arith.constant 0 : i32
    %c0_i32_1 = arith.constant 0 : i32
    return %c0_i32, %c0_i32_0 : i32, i32
  }
  func.func @transform_8(%arg0: i32) -> (i32, i32) {
    %c0_i32 = arith.constant 0 : i32
    %c0_i32_0 = arith.constant 0 : i32
    return %arg0, %c0_i32 : i32, i32
  }
}

</mosaic_0001>

<sc_bundles>
// kernel: kernel.5.cloned.1.call-start
scs
__scs_entry_jumppad:
0x0: {  	(pc) =	sbr.rel $0x88, $3  }
0x1: {  	(tag) =	ssettag $0x0;
	lr =	simm.s32 $0x1  }
0x2: {  	[smem:$0x3F97] =	sst lr;
	_ =	strace $0xD0000000  }
0x3: {  	_ = 	snop  }
0x4: {  	_ = 	snop  }
0x5: {  	_ = 	snop  }
0x6: {  	_ = 	snop  }
0x7: {  	_ = 	snop  }
__scs_overlays_trampoline_lowered:
0x8: {  	[smem:$0x3FA6] =	sst s0  }
0x9: {  	[smem:$0x3FA7] =	sst s1  }
0xa: {  	[smem:$0x3FA8] =	sst s2  }
0xb: {  	[smem:$0x3FA9] =	sst s3  }
0xc: {  	[smem:$0x3FAA] =	sst s4  }
0xd: {  	[smem:$0x3FAB] =	sst s5  }
0xe: {  	[smem:$0x3FAC] =	sst s6  }
0xf: {  	[smem:$0x3FAD] =	sst s7  }
0x10: {  	[smem:$0x3FAE] =	sst s8  }
0x11: {  	[smem:$0x3FAF] =	sst s9;
	s0 =	simm.s32 @!p0 $0x0  }
0x12: {  	s1 =	sld [smem:$0x3F95];
	s0 =	simm.s32 @p0 $0x1  }
0x13: {  	[smem:$0x3FB0] =	sst s0;
	s0 =	simm.s32 @!p1 $0x0  }
0x14: {  	s2 =	sld [smem:$0x3F94];
	s0 =	simm.s32 @p1 $0x1  }
0x15: {  	[smem:$0x3FB1] =	sst s0;
	s0 =	simm.s32 @!p2 $0x0  }
0x16: {  	s3 =	sld [smem:$0x3FDB];
	s0 =	simm.s32 @p2 $0x1  }
0x17: {  	s4 =	simm.s32 $0x1BF5;
	[smem:$0x3FB3] =	sst s0  }
0x18: {  	s0 =	sld [smem:$0x3F96];
	_ =	swait.ge [sflag:s4], $0x0  }
0x19: {  	s7 =	sld [smem:$0x3F97]  }
0x1a: {  	s8 =	sadd.s32 $0xFFFFE003, lr  }
0x1b: {  	s9 =	sadd.s32 $0xFFFFFEF7, lr;
	s5 =	simm.s32 $0xFFFFFFFF;
	p2 =	slt.u32 s8, $0xFFFFF086  }
0x1c: {  	p1 =	slt.u32 s9, $0xF7A;
	s5 =	simm.s32 @!p2 $0x0  }
0x1d: {  	s5 =	simm.s32 @p1 $0x1;
	p0 =	seq.s32 s7, s2  }
0x1e: {  	s7 =	smul.u32 @!p0 $0xF7A, s2;
	p2 =	seq.s32 @!p0 s5, $0x0  }
0x1f: {  	s9 =	smul.u32 $0xF7A, s1;
	s8 =	simm.s32 @!p0 $0x1BF5;
	p2 =	por !p2, p0  }
0x20: {  	[sflag:s8] =	ssyncset.s32 @!p0 $0xFFFFF086;
	s6 =	sadd.s32 @!p0 s3, s7;
	s7 =	simm.s32 @!p0 $0x108  }
0x21: {  	s3 =	sadd.s32 s3, s9;
	s6 =	sadd.s32 @!p0 $0x88, s6;
	s7 =	simm.s32 @p2 $0x1082  }
0x22: {  	[simem:s7], [sflag:s8] =	dma.local @!p0 [hbm:s6], $0xF7A  }
0x23: {  	s9 =	sor.u32 $0xD0000000, s2;
	s6 =	simm.s32 $0x108;
	_ =	swait.ge @!p0 [sflag:s8], $0x0  }
0x24: {  	s3 =	sadd.s32 $0x88, s3;
	s6 =	simm.s32 @!p1 $0x1082;
	[sflag:s4] =	ssyncset.s32 $0xFFFFF086  }
0x25: {  	[simem:s6], [sflag:s4] =	dma.local [hbm:s3], $0xF7A  }
0x26: {  	[smem:$0x3F97] =	sst s1;
	(tag) =	ssettag s2;
	_ =	strace s9  }
0x27: {  	s1 =	sld [smem:$0x3FA7]  }
0x28: {  	s2 =	sld [smem:$0x3FA8]  }
0x29: {  	s4 =	sld [smem:$0x3FAA]  }
0x2a: {  	p0 =	seq.s32 s5, $0x0;
	s5 =	sld [smem:$0x3FAB]  }
0x2b: {  	s6 =	sld [smem:$0x3FAC]  }
0x2c: {  	s7 =	sld [smem:$0x3FAD]  }
0x2d: {  	s3 =	simm.s32 $0x108;
	s8 =	sld [smem:$0x3FAE]  }
0x2e: {  	s3 =	simm.s32 @!p0 $0x1082;
	s9 =	sld [smem:$0x3FAF]  }
0x2f: {  	lr =	sadd.s32 s0, s3;
	s0 =	sld [smem:$0x3FA6]  }
0x30: {  	s3 =	sld [smem:$0x3FA9]  }
0x31: {  	[smem:$0x3FB2] =	sst s10  }
0x32: {  	s10 =	sld [smem:$0x3FB0];
	_ =	sdelay $0x3  }
0x33: {  	p0 =	seq.s32 s10, $0x1;
	s10 =	sld [smem:$0x3FB2];
	_ =	sdelay $0x3  }
0x34: {  	[smem:$0x3FB2] =	sst s10  }
0x35: {  	s10 =	sld [smem:$0x3FB1];
	_ =	sdelay $0x3  }
0x36: {  	p1 =	seq.s32 s10, $0x1;
	s10 =	sld [smem:$0x3FB2];
	_ =	sdelay $0x3  }
0x37: {  	[smem:$0x3FB2] =	sst s10  }
0x38: {  	s10 =	sld [smem:$0x3FB3]  }
0x39: {  	_ = 	snop;
	(pc) =	sbr.ind lr, $3  }
0x3a: {  	_ = 	snop  }
0x3b: {  	_ = 	snop  }
0x3c: {  	p2 =	seq.s32 s10, $0x1;
	s10 =	sld [smem:$0x3FB2]  }
0x3d: {  	_ =	shalt  }
0x3e: {  	_ =	shalt  }
0x3f: {  	_ =	shalt  }
0x40: {  	_ =	shalt  }
0x41: {  	_ =	shalt  }
0x42: {  	_ =	shalt  }
0x43: {  	_ =	shalt  }
0x44: {  	_ =	shalt  }
0x45: {  	_ =	shalt  }
0x46: {  	_ =	shalt  }
0x47: {  	_ =	shalt  }
0x48: {  	_ =	shalt  }
0x49: {  	_ =	shalt  }
0x4a: {  	_ =	shalt  }
0x4b: {  	_ =	shalt  }
0x4c: {  	_ =	shalt  }
0x4d: {  	_ =	shalt  }
0x4e: {  	_ =	shalt  }
0x4f: {  	_ =	shalt  }
0x50: {  	_ =	shalt  }
0x51: {  	_ =	shalt  }
0x52: {  	_ =	shalt  }
0x53: {  	_ =	shalt  }
0x54: {  	_ =	shalt  }
0x55: {  	_ =	shalt  }
0x56: {  	_ =	shalt  }
0x57: {  	_ =	shalt  }
0x58: {  	_ =	shalt  }
0x59: {  	_ =	shalt  }
0x5a: {  	_ =	shalt  }
0x5b: {  	_ =	shalt  }
0x5c: {  	_ =	shalt  }
0x5d: {  	_ =	shalt  }
0x5e: {  	_ =	shalt  }
0x5f: {  	_ =	shalt  }
0x60: {  	_ =	shalt  }
0x61: {  	_ =	shalt  }
0x62: {  	_ =	shalt  }
0x63: {  	_ =	shalt  }
0x64: {  	_ =	shalt  }
0x65: {  	_ =	shalt  }
0x66: {  	_ =	shalt  }
0x67: {  	_ =	shalt  }
0x68: {  	_ =	shalt  }
0x69: {  	_ =	shalt  }
0x6a: {  	_ =	shalt  }
0x6b: {  	_ =	shalt  }
0x6c: {  	_ =	shalt  }
0x6d: {  	_ =	shalt  }
0x6e: {  	_ =	shalt  }
0x6f: {  	_ =	shalt  }
0x70: {  	_ =	shalt  }
0x71: {  	_ =	shalt  }
0x72: {  	_ =	shalt  }
0x73: {  	_ =	shalt  }
0x74: {  	_ =	shalt  }
0x75: {  	_ =	shalt  }
0x76: {  	_ =	shalt  }
0x77: {  	_ =	shalt  }
0x78: {  	_ =	shalt  }
0x79: {  	_ =	shalt  }
0x7a: {  	_ =	shalt  }
0x7b: {  	_ =	shalt  }
0x7c: {  	_ =	shalt  }
0x7d: {  	_ =	shalt  }
0x7e: {  	_ =	shalt  }
0x7f: {  	_ =	shalt  }
0x80: {  	_ =	shalt  }
0x81: {  	_ =	shalt  }
0x82: {  	_ =	shalt  }
0x83: {  	_ =	shalt  }
0x84: {  	_ =	shalt  }
0x85: {  	_ =	shalt  }
0x86: {  	_ =	shalt  }
0x87: {  	_ =	shalt  }
.Lfunc_end0:
.L_simem_size_0:
called_computation_lowered:
.L_overlay_start_0:
0x88: {  	s2 =	sld [smem:$0x3FD9]  }
0x89: {  	s3 =	sld [smem:$0x3FFE];
	_ =	sdelay $0x1  }
0x8a: {  	s1 =	srdreg.scid  }
0x8b: {  	s0 =	sand.u32 $0x1, s1  }
0x8c: {  	s17 =	sshll.u32 s0, $0xA;
	s2 =	sadd.s32 s3, s2  }
0x8d: {  	s2 =	sadd.s32 s2, s17  }
0x8e: {  	[smem:$0x3FBE] =	sst s2  }
0x8f: {  	_ = 	snop  }
0x90: {  	s2 =	sld [smem:$0x3FD0];
	(tm) =	ssettm $0x1  }
0x91: {  	s18 =	sld [smem:$0x3FFB];
	_ =	sdelay $0x3  }
0x92: {  	_ =	strace s18  }
0x93: {  	s3 =	sld [smem:$0x3FFC];
	_ =	sdelay $0x3  }
0x94: {  	_ =	strace s3  }
0x95: {  	s3 =	sld [smem:$0x3FFD];
	_ =	sdelay $0x3  }
0x96: {  	_ =	strace s3  }
0x97: {  	_ =	strace $0x8FFFFFFF  }
0x98: {  	s19 =	sld [smem:$0x3FDB];
	_ =	sdelay $0x1  }
0x99: {  	s4 =	simm.s32 $_scs_section_size  }
0x9a: {  	s5 =	simm.s32 $_size__tile_overlayer_lowered;
	s6 =	simm.s32 $_tile_overlayer_lowered  }
0x9b: {  	s22 =	simm.s32 $0x1BFF;
	s21 =	sshll.u32 s6, $0x1;
	s3 =	sadd.s32 s4, s19  }
0x9c: {  	s7 =	simm.s32 $0x0;
	s20 =	sshll.u32 s5, $0x1;
	s5 =	sadd.s32 s21, s3  }
0x9d: {  	[timem:s7], [sflag:s22] =	dma.local [hbm:s5], s20  }
0x9e: {  	_ =	swait.ge [sflag:s22], s20  }
0x9f: {  	s4 =	ssub.s32 $0x0, s20;
	[sflag:s22] =	ssyncset.done $0x0  }
0xa0: {  	[sflag:s22] =	ssyncadd.s32 s4;
	_ =	sdelay $0x1  }
0xa1: {  	s23 =	simm.s32 $0x1B8B  }
0xa2: {  	_ =	swait.ge [sflag:s23], $0x1  }
0xa3: {  	[sflag:s23] =	ssyncset.done $0x0  }
0xa4: {  	s25 =	simm.s32 $0x1B8E;
	s24 =	sld [smem:$0x3FFE];
	[sflag:s23] =	ssyncadd.s32 $0xFFFFFFFF  }
0xa5: {  	s26 =	simm.s32 $execute0_lowered;
	[smem:$0x3FD2] =	sst s25  }
0xa6: {  	s5 =	sshll.u32 s26, $0x1;
	_ =	strace $0x80000046;
	[dreg:$0x1] =	wrdreg $0xFFFFFFFF  }
0xa7: {  	s28 =	simm.s32 $_size_execute0_lowered;
	s3 =	sadd.s32 s3, s5;
	[dreg:$0x0] =	wrdreg $0x0  }
0xa8: {  	s5 =	sshll.u32 s28, $0x1;
	[dreg:$0x2] =	wrdreg s3  }
0xa9: {  	[dreg:$0x3] =	wrdreg s5  }
0xaa: {  	[dreg:$0x4] =	wrdreg $0xC0  }
0xab: {  	_ =	task [dreg:s7], $0x5FFFF  }
0xac: {  	[dreg:$0x1] =	wrdreg $0xFFFFFFFF  }
0xad: {  	[dreg:$0x0] =	wrdreg $0x60  }
0xae: {  	[dreg:$0x2] =	wrdreg s24  }
0xaf: {  	[dreg:$0x3] =	wrdreg s2  }
0xb0: {  	[dreg:$0x4] =	wrdreg $0x0  }
0xb1: {  	[dreg:$0x5] =	wrdreg $0x9  }
0xb2: {  	_ =	task.clear_ibuf [dreg:s7], $0x6FFFF;
	_ =	strace $0x90000046  }
0xb3: {  	s29 =	simm.s32 $0x9;
	_ =	strace $0x80000048  }
0xb4: {  	_ =	swait.ge [sflag:s29], $0x1  }
0xb5: {  	[sflag:s29] =	ssyncadd.s32 $0xFFFFFFFF  }
0xb6: {  	_ =	strace $0x90000048  }
0xb7: {  	_ =	sfence  }
0xb8: {  	s30 =	sld [smem:$0x0];
	_ =	sdelay $0x2  }
0xb9: {  	s31 =	sshll.u32 s1, $0xD;
	s1 =	sshrl.u32 s1, $0x2  }
0xba: {  	s3 =	sand.u32 $0x4000, s31;
	s1 =	sadd.s32 s1, s30  }
0xbb: {  	s0 =	sor.u32 s3, s0;
	s1 =	sshll.u32 s1, $0x11  }
0xbc: {  	s0 =	sor.u32 s1, s0  }
0xbd: {  	s0 =	sadd.s32 $0x8F2B, s0  }
0xbe: {  	[sflag:s0] =	ssyncadd.remote.s32 $0x1  }
0xbf: {  	_ =	sfence.sel $0xFFFF  }
0xc0: {  	[dreg:$0x0] =	wrdreg $0xFFFFFFFF;
	(pc) =	sbr.abs _section_cstart, $3  }
0xc1: {  	[dreg:$0x1] =	wrdreg $0xFFFFFFFF  }
0xc2: {  	_ =	task.clear_ibuf [dreg:s7], $0x2FFFF;
	_ =	strace $0x9FFFFFFF  }
0xc3: {  	(tm) =	ssettm $0x7FFFFFFF  }
tec
execute0_lowered:
.L_overlay_start_1:
0x0: {  	(tag) =	ssettag $0x1  }
0x1: {  	s0 =	rddreg [dreg:$0x0]  }
0x2: {  	s1 =	rddreg [dreg:$0x1]  }
0x3: {  	s2 =	rddreg [dreg:$0x2];
	s3 =	simm.s32 $0x0;
	s28 =	srdreg.scid  }
0x4: {  	s9 =	stileid.u32;
	[smem:$0x7FF] =	sst s3  }
0x5: {  	s4 =	sadd.s32 $0x139600, s0;
	s25 =	sadd.s32 $0x1000, s0;
	s26 =	sadd.s32 $0x3800, s0  }
0x6: {  	s8 =	sadd.s32 $0x6000, s0;
	_ =	strace $0x80000047;
	[dreg:$0x4] =	wrdreg s25  }
0x7: {  	s3 =	sand.u32 $0x1, s28;
	s5 =	sadd.s32 $0xE00, s0;
	[dreg:$0x5] =	wrdreg s26  }
0x8: {  	s6 =	smul.u32 $0x50000, s9;
	s7 =	sadd.s32 $0xFE00, s0;
	[dreg:$0x6] =	wrdreg s5  }
0x9: {  	s30 =	sadd.s32 $0x271E00, s0;
	s0 =	sadd.s32 $0x10000, s0;
	[dreg:$0x7] =	wrdreg s7  }
0xa: {  	s29 =	ssub.s32 $0x2, s3;
	[dreg:$0x8] =	wrdreg s30;
	s11 =	sshrl.u32 s6, $0x2  }
0xb: {  	[dreg:$0x9] =	wrdreg s0;
	s3 =	sshll.u32 s3, $0x2;
	s15 =	sadd.s32 s11, s2  }
0xc: {  	[dreg:$0xa] =	wrdreg s3;
	s12 =	sadd.s32 $0x800, s15  }
0xd: {  	s14 =	sadd.s32 $0x1000, s15;
	[dreg:$0xb] =	wrdreg s12  }
0xe: {  	s5 =	sadd.s32 $0x1800, s15;
	[dreg:$0xc] =	wrdreg s14  }
0xf: {  	s18 =	sadd.s32 $0x2000, s15;
	[dreg:$0xd] =	wrdreg s5  }
0x10: {  	s19 =	sadd.s32 $0x2800, s15;
	[dreg:$0xe] =	wrdreg s18  }
0x11: {  	s20 =	sadd.s32 $0x3000, s15;
	[dreg:$0xf] =	wrdreg s19  }
0x12: {  	s31 =	sshrl.u32 s29, $0x1;
	s21 =	sadd.s32 $0x3800, s15;
	[dreg:$0x10] =	wrdreg s20  }
0x13: {  	s10 =	ssub.s32 s29, s31;
	s22 =	sadd.s32 $0x4000, s15;
	[dreg:$0x11] =	wrdreg s21  }
0x14: {  	s0 =	smax.u32 s10, $0x1;
	[dreg:$0x13] =	wrdreg s22  }
0x15: {  	s23 =	sadd.s32 $0x4800, s15;
	[dreg:$0x14] =	wrdreg s0  }
0x16: {  	s24 =	sadd.s32 $0x5000, s15;
	[dreg:$0x15] =	wrdreg s23  }
0x17: {  	s25 =	sadd.s32 $0x5800, s15;
	[dreg:$0x16] =	wrdreg s24  }
0x18: {  	s26 =	sadd.s32 $0x6000, s15;
	[dreg:$0x17] =	wrdreg s25  }
0x19: {  	s28 =	sadd.s32 $0x6800, s15;
	[dreg:$0x18] =	wrdreg s26  }
0x1a: {  	s29 =	sadd.s32 $0x7000, s15;
	[dreg:$0x19] =	wrdreg s28  }
0x1b: {  	s30 =	sadd.s32 $0x7800, s15;
	[dreg:$0x1a] =	wrdreg s29  }
0x1c: {  	s31 =	sadd.s32 $0x8000, s15;
	[dreg:$0x1b] =	wrdreg s30  }
0x1d: {  	s6 =	sadd.s32 $0x9800, s15;
	[dreg:$0x1c] =	wrdreg s31  }
0x1e: {  	s7 =	sadd.s32 $0xA000, s15;
	[dreg:$0x1f] =	wrdreg s6  }
0x1f: {  	s10 =	sadd.s32 $0xA800, s15;
	[smem:$0x7EA] =	sst s7  }
0x20: {  	s16 =	sshrl.u32 s9, $0x3;
	s11 =	sadd.s32 $0xB000, s15;
	[smem:$0x7EB] =	sst s10  }
0x21: {  	s3 =	smul.u32 $0x14000, s16;
	s16 =	sadd.s32 $0xC800, s15;
	[smem:$0x7EC] =	sst s11  }
0x22: {  	s12 =	sadd.s32 $0xB800, s15;
	[smem:$0x7EF] =	sst s16  }
0x23: {  	s17 =	sshll.u32 s9, $0x7;
	s14 =	sadd.s32 $0xC000, s15;
	[smem:$0x7ED] =	sst s12  }
0x24: {  	s5 =	sand.u32 $0x380, s17;
	s17 =	sadd.s32 $0xD000, s15;
	[smem:$0x7EE] =	sst s14  }
0x25: {  	s18 =	sadd.s32 $0xD800, s15;
	[smem:$0x7F0] =	sst s17  }
0x26: {  	s19 =	sadd.s32 $0xE000, s15;
	[smem:$0x7F1] =	sst s18  }
0x27: {  	s20 =	sadd.s32 $0xE800, s15;
	[smem:$0x7F2] =	sst s19  }
0x28: {  	s21 =	sadd.s32 $0xF000, s15;
	[smem:$0x7F3] =	sst s20  }
0x29: {  	s22 =	sadd.s32 $0xF800, s15;
	[smem:$0x7F4] =	sst s21  }
0x2a: {  	s23 =	sadd.s32 $0x10000, s15;
	[smem:$0x7F5] =	sst s22  }
0x2b: {  	s13 =	smul.u32 $0x4E20, s9;
	s24 =	sadd.s32 $0x10800, s15;
	[smem:$0x7F6] =	sst s23  }
0x2c: {  	s25 =	sadd.s32 $0x11000, s15;
	s26 =	sadd.s32 $0x11800, s15;
	[smem:$0x7F7] =	sst s24  }
0x2d: {  	s28 =	sadd.s32 $0x12000, s15;
	s29 =	sadd.s32 $0x12800, s15;
	[smem:$0x7F8] =	sst s25  }
0x2e: {  	s30 =	sadd.s32 $0x13000, s15;
	s31 =	sadd.s32 $0x13800, s15;
	[smem:$0x7F9] =	sst s26  }
0x2f: {  	s10 =	simm.s32 $0x1F180;
	s6 =	simm.s32 $0x14000;
	[smem:$0x7FA] =	sst s28  }
0x30: {  	s7 =	simm.s32 $0x16800;
	s11 =	simm.s32 $0x1B800;
	[smem:$0x7FB] =	sst s29  }
0x31: {  	s16 =	simm.s32 $0x1C800;
	s3 =	sor.u32 s5, s3;
	[smem:$0x7FC] =	sst s30  }
0x32: {  	s5 =	sadd.s32 $0x9000, s15;
	[smem:$0x7FD] =	sst s31;
	s25 =	simm.s32 $0x80  }
0x33: {  	s12 =	simm.s32 $0x1C000;
	s14 =	simm.s32 $0x50;
	s17 =	simm.s32 $0x1C980  }
0x34: {  	s18 =	simm.s32 $0x19000;
	s19 =	simm.s32 $0x1;
	s20 =	simm.s32 $0x1C900  }
0x35: {  	s21 =	simm.s32 $0x1C880;
	s22 =	simm.s32 $0x0;
	[dreg:$0x12] =	wrdreg s3  }
0x36: {  	s3 =	sadd.s32 $0x8800, s15;
	[dreg:$0x1e] =	wrdreg s5;
	s5 =	simm.s32 $0x400  }
0x37: {  	v0 =	vimm.f32 $0.0e+00;
	[dreg:$0x1d] =	wrdreg s3;
	s3 =	smul.u32 $0x14000, s9;
	s9 =	simm.s32 $0x2  }
.LBB2_1:
0x38: {  	[smem:$0x7E9] =	sst s22  }
0x39: {  	s0 =	simm.s32 $0x0;
	s30 =	rddreg [dreg:$0x6];
	s23 =	simm.s32 $0x1F980  }
0x3a: {  	[tilespmem:s23], [sflag:$0x2] =	stream.linear.gather [hbm4b:s30+s0], $0x80, $0x38;
	[tilespmem:$0x1FA00] =	vst v63  }
0x3b: {  	_ =	swait.ge [sflag:s9], $0x80  }
0x3c: {  	[sflag:s9] =	ssyncset.done $0x0  }
0x3d: {  	s31 =	rddreg [dreg:$0x7];
	[sflag:s9] =	ssyncadd.s32 $0xFFFFFF80  }
0x3e: {  	[tilespmem:s10], [sflag:$0x2] =	stream.linear.gather [hbm4b:s31+s0], $0x800, $0x38;
	[tilespmem:$0x1FA00] =	vst v63  }
0x3f: {  	_ =	swait.ge [sflag:s9], $0x800  }
0x40: {  	[sflag:s9] =	ssyncset.done $0x0  }
0x41: {  	s22 =	simm.s32 $0x0;
	[sflag:s9] =	ssyncadd.s32 $0xFFFFF800  }
.LBB2_2:
0x42: {  	s23 =	simm.s32 $0x40;
	s24 =	simm.s32 $0x0  }
.LBB2_3:
0x43: {  	p0 =	sne.s32 s23, $0x9FC0;
	[tilespmem:s24+$0x19000] =	vst v0;
	s24 =	smov.u32 s23;
	s23 =	sadd.s32 $0x40, s23  }
.Ltmp0:
0x44: {  	(pc) =	sbr.rel @p0 .LBB2_3-.Ltmp0, $2  }
0x45: {  	_ =	sdelay $0x2  }
0x46: {  	s24 =	sshra.s32 s24, $0x2  }
0x47: {  	[tilespmem:s24+$0x19000] =	vst v0  }
0x48: {  	[spmem:s15] =	stream.linear.scatter [tilespmem:s10], [sflag:$0x2], $0x800, $0x38;
	[tilespmem:$0x1FA00] =	vst v63  }
0x49: {  	_ =	swait.ge [sflag:s9], $0x800  }
0x4a: {  	[sflag:s9] =	ssyncset.done $0x0  }
0x4b: {  	s0 =	rddreg [dreg:$0xb];
	[sflag:s9] =	ssyncadd.s32 $0xFFFFF800  }
0x4c: {  	[spmem:s0] =	stream.linear.scatter [tilespmem:s10], [sflag:$0x2], $0x800, $0x38;
	[tilespmem:$0x1FA00] =	vst v63  }
0x4d: {  	_ =	swait.ge [sflag:s9], $0x800  }
0x4e: {  	[sflag:s9] =	ssyncset.done $0x0  }
0x4f: {  	s31 =	rddreg [dreg:$0xc];
	[sflag:s9] =	ssyncadd.s32 $0xFFFFF800  }
0x50: {  	[spmem:s31] =	stream.linear.scatter [tilespmem:s10], [sflag:$0x2], $0x800, $0x38;
	[tilespmem:$0x1FA00] =	vst v63  }
0x51: {  	_ =	swait.ge [sflag:s9], $0x800  }
0x52: {  	[sflag:s9] =	ssyncset.done $0x0  }
0x53: {  	s23 =	rddreg [dreg:$0xd];
	[sflag:s9] =	ssyncadd.s32 $0xFFFFF800  }
0x54: {  	[spmem:s23] =	stream.linear.scatter [tilespmem:s10], [sflag:$0x2], $0x800, $0x38;
	[tilespmem:$0x1FA00] =	vst v63  }
0x55: {  	_ =	swait.ge [sflag:s9], $0x800  }
0x56: {  	[sflag:s9] =	ssyncset.done $0x0  }
0x57: {  	s24 =	rddreg [dreg:$0xe];
	[sflag:s9] =	ssyncadd.s32 $0xFFFFF800  }
0x58: {  	[spmem:s24] =	stream.linear.scatter [tilespmem:s10], [sflag:$0x2], $0x800, $0x38;
	[tilespmem:$0x1FA00] =	vst v63  }
0x59: {  	_ =	swait.ge [sflag:s9], $0x800  }
0x5a: {  	[sflag:s9] =	ssyncset.done $0x0  }
0x5b: {  	s26 =	rddreg [dreg:$0xf];
	[sflag:s9] =	ssyncadd.s32 $0xFFFFF800  }
0x5c: {  	[spmem:s26] =	stream.linear.scatter [tilespmem:s10], [sflag:$0x2], $0x800, $0x38;
	[tilespmem:$0x1FA00] =	vst v63  }
0x5d: {  	_ =	swait.ge [sflag:s9], $0x800  }
0x5e: {  	[sflag:s9] =	ssyncset.done $0x0  }
0x5f: {  	s28 =	rddreg [dreg:$0x10];
	[sflag:s9] =	ssyncadd.s32 $0xFFFFF800  }
0x60: {  	[spmem:s28] =	stream.linear.scatter [tilespmem:s10], [sflag:$0x2], $0x800, $0x38;
	[tilespmem:$0x1FA00] =	vst v63  }
0x61: {  	_ =	swait.ge [sflag:s9], $0x800  }
0x62: {  	[sflag:s9] =	ssyncset.done $0x0  }
0x63: {  	s29 =	rddreg [dreg:$0x11];
	[sflag:s9] =	ssyncadd.s32 $0xFFFFF800  }
0x64: {  	[spmem:s29] =	stream.linear.scatter [tilespmem:s10], [sflag:$0x2], $0x800, $0x38;
	[tilespmem:$0x1FA00] =	vst v63  }
0x65: {  	_ =	swait.ge [sflag:s9], $0x800  }
0x66: {  	[sflag:s9] =	ssyncset.done $0x0  }
0x67: {  	s30 =	rddreg [dreg:$0x13];
	[sflag:s9] =	ssyncadd.s32 $0xFFFFF800  }
0x68: {  	[spmem:s30] =	stream.linear.scatter [tilespmem:s10], [sflag:$0x2], $0x800, $0x38;
	[tilespmem:$0x1FA00] =	vst v63  }
0x69: {  	_ =	swait.ge [sflag:s9], $0x800  }
0x6a: {  	[sflag:s9] =	ssyncset.done $0x0  }
0x6b: {  	s31 =	rddreg [dreg:$0x15];
	[sflag:s9] =	ssyncadd.s32 $0xFFFFF800  }
0x6c: {  	[spmem:s31] =	stream.linear.scatter [tilespmem:s10], [sflag:$0x2], $0x800, $0x38;
	[tilespmem:$0x1FA00] =	vst v63  }
0x6d: {  	_ =	swait.ge [sflag:s9], $0x800  }
0x6e: {  	[sflag:s9] =	ssyncset.done $0x0  }
0x6f: {  	s23 =	rddreg [dreg:$0x16];
	[sflag:s9] =	ssyncadd.s32 $0xFFFFF800  }
0x70: {  	[spmem:s23] =	stream.linear.scatter [tilespmem:s10], [sflag:$0x2], $0x800, $0x38;
	[tilespmem:$0x1FA00] =	vst v63  }
0x71: {  	_ =	swait.ge [sflag:s9], $0x800  }
0x72: {  	[sflag:s9] =	ssyncset.done $0x0  }
0x73: {  	s24 =	rddreg [dreg:$0x17];
	[sflag:s9] =	ssyncadd.s32 $0xFFFFF800  }
0x74: {  	[spmem:s24] =	stream.linear.scatter [tilespmem:s10], [sflag:$0x2], $0x800, $0x38;
	[tilespmem:$0x1FA00] =	vst v63  }
0x75: {  	_ =	swait.ge [sflag:s9], $0x800  }
0x76: {  	[sflag:s9] =	ssyncset.done $0x0  }
0x77: {  	s26 =	rddreg [dreg:$0x18];
	[sflag:s9] =	ssyncadd.s32 $0xFFFFF800  }
0x78: {  	[spmem:s26] =	stream.linear.scatter [tilespmem:s10], [sflag:$0x2], $0x800, $0x38;
	[tilespmem:$0x1FA00] =	vst v63  }
0x79: {  	_ =	swait.ge [sflag:s9], $0x800  }
0x7a: {  	[sflag:s9] =	ssyncset.done $0x0  }
0x7b: {  	s28 =	rddreg [dreg:$0x19];
	[sflag:s9] =	ssyncadd.s32 $0xFFFFF800  }
0x7c: {  	[spmem:s28] =	stream.linear.scatter [tilespmem:s10], [sflag:$0x2], $0x800, $0x38;
	[tilespmem:$0x1FA00] =	vst v63  }
0x7d: {  	_ =	swait.ge [sflag:s9], $0x800  }
0x7e: {  	[sflag:s9] =	ssyncset.done $0x0  }
0x7f: {  	s29 =	rddreg [dreg:$0x1a];
	[sflag:s9] =	ssyncadd.s32 $0xFFFFF800  }
0x80: {  	[spmem:s29] =	stream.linear.scatter [tilespmem:s10], [sflag:$0x2], $0x800, $0x38;
	[tilespmem:$0x1FA00] =	vst v63  }
0x81: {  	_ =	swait.ge [sflag:s9], $0x800  }
0x82: {  	[sflag:s9] =	ssyncset.done $0x0  }
0x83: {  	s30 =	rddreg [dreg:$0x1b];
	[sflag:s9] =	ssyncadd.s32 $0xFFFFF800  }
0x84: {  	[spmem:s30] =	stream.linear.scatter [tilespmem:s10], [sflag:$0x2], $0x800, $0x38;
	[tilespmem:$0x1FA00] =	vst v63  }
0x85: {  	_ =	swait.ge [sflag:s9], $0x800  }
0x86: {  	[sflag:s9] =	ssyncset.done $0x0  }
0x87: {  	s31 =	rddreg [dreg:$0x1c];
	[sflag:s9] =	ssyncadd.s32 $0xFFFFF800  }
0x88: {  	[spmem:s31] =	stream.linear.scatter [tilespmem:s10], [sflag:$0x2], $0x800, $0x38;
	[tilespmem:$0x1FA00] =	vst v63  }
0x89: {  	_ =	swait.ge [sflag:s9], $0x800  }
0x8a: {  	[sflag:s9] =	ssyncset.done $0x0  }
0x8b: {  	s23 =	rddreg [dreg:$0x1d];
	[sflag:s9] =	ssyncadd.s32 $0xFFFFF800  }
0x8c: {  	[spmem:s23] =	stream.linear.scatter [tilespmem:s10], [sflag:$0x2], $0x800, $0x38;
	[tilespmem:$0x1FA00] =	vst v63  }
0x8d: {  	_ =	swait.ge [sflag:s9], $0x800  }
0x8e: {  	[sflag:s9] =	ssyncset.done $0x0  }
0x8f: {  	s24 =	rddreg [dreg:$0x1e];
	[sflag:s9] =	ssyncadd.s32 $0xFFFFF800  }
0x90: {  	[spmem:s24] =	stream.linear.scatter [tilespmem:s10], [sflag:$0x2], $0x800, $0x38;
	[tilespmem:$0x1FA00] =	vst v63  }
0x91: {  	_ =	swait.ge [sflag:s9], $0x800  }
0x92: {  	[sflag:s9] =	ssyncset.done $0x0  }
0x93: {  	s26 =	rddreg [dreg:$0x1f];
	[sflag:s9] =	ssyncadd.s32 $0xFFFFF800  }
0x94: {  	[spmem:s26] =	stream.linear.scatter [tilespmem:s10], [sflag:$0x2], $0x800, $0x38;
	[tilespmem:$0x1FA00] =	vst v63  }
0x95: {  	_ =	swait.ge [sflag:s9], $0x800  }
0x96: {  	s28 =	sld [smem:$0x7EA]  }
0x97: {  	[sflag:s9] =	ssyncset.done $0x0  }
0x98: {  	[sflag:s9] =	ssyncadd.s32 $0xFFFFF800  }
0x99: {  	[spmem:s28] =	stream.linear.scatter [tilespmem:s10], [sflag:$0x2], $0x800, $0x38;
	[tilespmem:$0x1FA00] =	vst v63  }
0x9a: {  	_ =	swait.ge [sflag:s9], $0x800  }
0x9b: {  	s29 =	sld [smem:$0x7EB]  }
0x9c: {  	[sflag:s9] =	ssyncset.done $0x0  }
0x9d: {  	[sflag:s9] =	ssyncadd.s32 $0xFFFFF800  }
0x9e: {  	[spmem:s29] =	stream.linear.scatter [tilespmem:s10], [sflag:$0x2], $0x800, $0x38;
	[tilespmem:$0x1FA00] =	vst v63  }
0x9f: {  	_ =	swait.ge [sflag:s9], $0x800  }
0xa0: {  	s30 =	sld [smem:$0x7EC]  }
0xa1: {  	[sflag:s9] =	ssyncset.done $0x0  }
0xa2: {  	[sflag:s9] =	ssyncadd.s32 $0xFFFFF800  }
0xa3: {  	[spmem:s30] =	stream.linear.scatter [tilespmem:s10], [sflag:$0x2], $0x800, $0x38;
	[tilespmem:$0x1FA00] =	vst v63  }
0xa4: {  	_ =	swait.ge [sflag:s9], $0x800  }
0xa5: {  	s31 =	sld [smem:$0x7ED]  }
0xa6: {  	[sflag:s9] =	ssyncset.done $0x0  }
0xa7: {  	[sflag:s9] =	ssyncadd.s32 $0xFFFFF800  }
0xa8: {  	[spmem:s31] =	stream.linear.scatter [tilespmem:s10], [sflag:$0x2], $0x800, $0x38;
	[tilespmem:$0x1FA00] =	vst v63  }
0xa9: {  	_ =	swait.ge [sflag:s9], $0x800  }
0xaa: {  	s23 =	sld [smem:$0x7EE]  }
0xab: {  	[sflag:s9] =	ssyncset.done $0x0  }
0xac: {  	[sflag:s9] =	ssyncadd.s32 $0xFFFFF800  }
0xad: {  	[spmem:s23] =	stream.linear.scatter [tilespmem:s10], [sflag:$0x2], $0x800, $0x38;
	[tilespmem:$0x1FA00] =	vst v63  }
0xae: {  	_ =	swait.ge [sflag:s9], $0x800  }
0xaf: {  	s24 =	sld [smem:$0x7EF]  }
0xb0: {  	[sflag:s9] =	ssyncset.done $0x0  }
0xb1: {  	[sflag:s9] =	ssyncadd.s32 $0xFFFFF800  }
0xb2: {  	[spmem:s24] =	stream.linear.scatter [tilespmem:s10], [sflag:$0x2], $0x800, $0x38;
	[tilespmem:$0x1FA00] =	vst v63  }
0xb3: {  	_ =	swait.ge [sflag:s9], $0x800  }
0xb4: {  	s26 =	sld [smem:$0x7F0]  }
0xb5: {  	[sflag:s9] =	ssyncset.done $0x0  }
0xb6: {  	[sflag:s9] =	ssyncadd.s32 $0xFFFFF800  }
0xb7: {  	[spmem:s26] =	stream.linear.scatter [tilespmem:s10], [sflag:$0x2], $0x800, $0x38;
	[tilespmem:$0x1FA00] =	vst v63  }
0xb8: {  	_ =	swait.ge [sflag:s9], $0x800  }
0xb9: {  	s28 =	sld [smem:$0x7F1]  }
0xba: {  	[sflag:s9] =	ssyncset.done $0x0  }
0xbb: {  	[sflag:s9] =	ssyncadd.s32 $0xFFFFF800  }
0xbc: {  	[spmem:s28] =	stream.linear.scatter [tilespmem:s10], [sflag:$0x2], $0x800, $0x38;
	[tilespmem:$0x1FA00] =	vst v63  }
0xbd: {  	_ =	swait.ge [sflag:s9], $0x800  }
0xbe: {  	s29 =	sld [smem:$0x7F2]  }
0xbf: {  	[sflag:s9] =	ssyncset.done $0x0  }
0xc0: {  	[sflag:s9] =	ssyncadd.s32 $0xFFFFF800  }
0xc1: {  	[spmem:s29] =	stream.linear.scatter [tilespmem:s10], [sflag:$0x2], $0x800, $0x38;
	[tilespmem:$0x1FA00] =	vst v63  }
0xc2: {  	_ =	swait.ge [sflag:s9], $0x800  }
0xc3: {  	s30 =	sld [smem:$0x7F3]  }
0xc4: {  	[sflag:s9] =	ssyncset.done $0x0  }
0xc5: {  	[sflag:s9] =	ssyncadd.s32 $0xFFFFF800  }
0xc6: {  	[spmem:s30] =	stream.linear.scatter [tilespmem:s10], [sflag:$0x2], $0x800, $0x38;
	[tilespmem:$0x1FA00] =	vst v63  }
0xc7: {  	_ =	swait.ge [sflag:s9], $0x800  }
0xc8: {  	s31 =	sld [smem:$0x7F4]  }
0xc9: {  	[sflag:s9] =	ssyncset.done $0x0  }
0xca: {  	[sflag:s9] =	ssyncadd.s32 $0xFFFFF800  }
0xcb: {  	[spmem:s31] =	stream.linear.scatter [tilespmem:s10], [sflag:$0x2], $0x800, $0x38;
	[tilespmem:$0x1FA00] =	vst v63  }
0xcc: {  	_ =	swait.ge [sflag:s9], $0x800  }
0xcd: {  	s23 =	sld [smem:$0x7F5]  }
0xce: {  	[sflag:s9] =	ssyncset.done $0x0  }
0xcf: {  	[sflag:s9] =	ssyncadd.s32 $0xFFFFF800  }
0xd0: {  	[spmem:s23] =	stream.linear.scatter [tilespmem:s10], [sflag:$0x2], $0x800, $0x38;
	[tilespmem:$0x1FA00] =	vst v63  }
0xd1: {  	_ =	swait.ge [sflag:s9], $0x800  }
0xd2: {  	s24 =	sld [smem:$0x7F6]  }
0xd3: {  	[sflag:s9] =	ssyncset.done $0x0  }
0xd4: {  	[sflag:s9] =	ssyncadd.s32 $0xFFFFF800  }
0xd5: {  	[spmem:s24] =	stream.linear.scatter [tilespmem:s10], [sflag:$0x2], $0x800, $0x38;
	[tilespmem:$0x1FA00] =	vst v63  }
0xd6: {  	_ =	swait.ge [sflag:s9], $0x800  }
0xd7: {  	s26 =	sld [smem:$0x7F7]  }
0xd8: {  	[sflag:s9] =	ssyncset.done $0x0  }
0xd9: {  	[sflag:s9] =	ssyncadd.s32 $0xFFFFF800  }
0xda: {  	[spmem:s26] =	stream.linear.scatter [tilespmem:s10], [sflag:$0x2], $0x800, $0x38;
	[tilespmem:$0x1FA00] =	vst v63  }
0xdb: {  	_ =	swait.ge [sflag:s9], $0x800  }
0xdc: {  	s28 =	sld [smem:$0x7F8]  }
0xdd: {  	[sflag:s9] =	ssyncset.done $0x0  }
0xde: {  	[sflag:s9] =	ssyncadd.s32 $0xFFFFF800  }
0xdf: {  	[spmem:s28] =	stream.linear.scatter [tilespmem:s10], [sflag:$0x2], $0x800, $0x38;
	[tilespmem:$0x1FA00] =	vst v63  }
0xe0: {  	_ =	swait.ge [sflag:s9], $0x800  }
0xe1: {  	s29 =	sld [smem:$0x7F9]  }
0xe2: {  	[sflag:s9] =	ssyncset.done $0x0  }
0xe3: {  	[sflag:s9] =	ssyncadd.s32 $0xFFFFF800  }
0xe4: {  	[spmem:s29] =	stream.linear.scatter [tilespmem:s10], [sflag:$0x2], $0x800, $0x38;
	[tilespmem:$0x1FA00] =	vst v63  }
0xe5: {  	_ =	swait.ge [sflag:s9], $0x800  }
0xe6: {  	s30 =	sld [smem:$0x7FA]  }
0xe7: {  	[sflag:s9] =	ssyncset.done $0x0  }
0xe8: {  	[sflag:s9] =	ssyncadd.s32 $0xFFFFF800  }
0xe9: {  	[spmem:s30] =	stream.linear.scatter [tilespmem:s10], [sflag:$0x2], $0x800, $0x38;
	[tilespmem:$0x1FA00] =	vst v63  }
0xea: {  	_ =	swait.ge [sflag:s9], $0x800  }
0xeb: {  	s31 =	sld [smem:$0x7FB]  }
0xec: {  	[sflag:s9] =	ssyncset.done $0x0  }
0xed: {  	[sflag:s9] =	ssyncadd.s32 $0xFFFFF800  }
0xee: {  	[spmem:s31] =	stream.linear.scatter [tilespmem:s10], [sflag:$0x2], $0x800, $0x38;
	[tilespmem:$0x1FA00] =	vst v63  }
0xef: {  	_ =	swait.ge [sflag:s9], $0x800  }
0xf0: {  	s23 =	sld [smem:$0x7FC]  }
0xf1: {  	[sflag:s9] =	ssyncset.done $0x0  }
0xf2: {  	[sflag:s9] =	ssyncadd.s32 $0xFFFFF800  }
0xf3: {  	[spmem:s23] =	stream.linear.scatter [tilespmem:s10], [sflag:$0x2], $0x800, $0x38;
	[tilespmem:$0x1FA00] =	vst v63  }
0xf4: {  	_ =	swait.ge [sflag:s9], $0x800  }
0xf5: {  	s24 =	sld [smem:$0x7FD]  }
0xf6: {  	[sflag:s9] =	ssyncset.done $0x0  }
0xf7: {  	s26 =	rddreg [dreg:$0xa];
	[sflag:s9] =	ssyncadd.s32 $0xFFFFF800  }
0xf8: {  	[spmem:s24] =	stream.linear.scatter [tilespmem:s10], [sflag:$0x2], $0x800, $0x38;
	[tilespmem:$0x1FA00] =	vst v63  }
0xf9: {  	s23 =	sadd.s32 s26, s22;
	_ =	swait.ge [sflag:s9], $0x800  }
0xfa: {  	s28 =	sshll.u32 s23, $0x4;
	[sflag:s9] =	ssyncset.done $0x0;
	s29 =	rddreg [dreg:$0x4]  }
0xfb: {  	[sflag:s9] =	ssyncadd.s32 $0xFFFFF800;
	s26 =	sadd.s32 s29, s28  }
0xfc: {  	[tilespmem:s6], [sflag:$0x2] =	stream.strided.gather [hbm4b:s26+s25], $0x2800, s5, s25, $0x38;
	[tilespmem:$0x1FA00] =	vst v63  }
0xfd: {  	_ =	swait.ge [sflag:s9], $0x2800  }
0xfe: {  	[sflag:s9] =	ssyncset.done $0x0;
	s30 =	rddreg [dreg:$0x5]  }
0xff: {  	[sflag:s9] =	ssyncadd.s32 $0xFFFFD800;
	s24 =	sadd.s32 s30, s28  }
0x100: {  	v1 =	vmov s23;
	[tilespmem:s7], [sflag:$0x2] =	stream.strided.gather [hbm4b:s24+s25], $0x2800, s5, s25, $0x38;
	[tilespmem:$0x1FA00] =	vst v63  }
0x101: {  	_ =	swait.ge [sflag:s9], $0x2800  }
0x102: {  	[sflag:s9] =	ssyncset.done $0x0  }
0x103: {  	[sflag:s9] =	ssyncadd.s32 $0xFFFFD800  }
0x104: {  	s31 =	simm.s32 $0x1F980;
	[bflag:$0x0] =	sbarrier.arrive $0xFFFF  }
0x105: {  	s26 =	simm.s32 $0x0;
	s24 =	simm.s32 $0x0;
	v2 =	vld.idx.msk [tilespmem:v1+s31+$0x0], $0xffff  }
.LBB2_5:
0x106: {  	s28 =	smul.u32 $0x7D0, s26;
	_ =	sdelay $0x1  }
0x107: {  	s28 =	sadd.s32 s13, s28  }
0x108: {  	s28 =	sshrl.u32 s28, $0x3  }
0x109: {  	s29 =	sadd.s32 s8, s28  }
0x10a: {  	[tilespmem:s11], [sflag:$0x2] =	stream.linear.gather [hbm4b:s29+s24], $0x7D0, $0x38;
	[tilespmem:$0x1FA00] =	vst v63  }
0x10b: {  	_ =	swait.ge [sflag:s9], $0x7D0  }
0x10c: {  	[sflag:s9] =	ssyncset.done $0x0  }
0x10d: {  	s28 =	sadd.s32 s1, s28;
	[sflag:s9] =	ssyncadd.s32 $0xFFFFF830  }
0x10e: {  	[tilespmem:s12], [sflag:$0x2] =	stream.linear.gather [hbm4b:s28+s24], $0x7D0, $0x38;
	[tilespmem:$0x1FA00] =	vst v63  }
0x10f: {  	_ =	swait.ge [sflag:s9], $0x7D0  }
0x110: {  	[sflag:s9] =	ssyncset.done $0x0  }
0x111: {  	s28 =	simm.s32 $0x0;
	[sflag:s9] =	ssyncadd.s32 $0xFFFFF830  }
.LBB2_6:
0x112: {  	s29 =	smul.u32 $0x50, s28;
	_ =	sdelay $0x1  }
0x113: {  	v3 =	vld [tilespmem:s29+$0x1B800]  }
0x114: {  	v4 =	vld [tilespmem:s29+$0x1C000];
	_ =	sdelay $0x3  }
0x115: {  	v3 =	vshll.u32 v3, $0x3  }
0x116: {  	[tilespmem:$0x1C880] =	vst v4;
	v3 =	vadd.s32 v1, v3  }
0x117: {  	[tilespmem:$0x1C800] =	vst v3  }
0x118: {  	v3 =	vld [tilespmem:s29+$0x1B810]  }
0x119: {  	v4 =	vld [tilespmem:s29+$0x1C010];
	_ =	sdelay $0x3  }
0x11a: {  	v3 =	vshll.u32 v3, $0x3  }
0x11b: {  	[tilespmem:$0x1C890] =	vst v4;
	v3 =	vadd.s32 v1, v3  }
0x11c: {  	[tilespmem:$0x1C810] =	vst v3  }
0x11d: {  	v3 =	vld [tilespmem:s29+$0x1B820]  }
0x11e: {  	v4 =	vld [tilespmem:s29+$0x1C020];
	_ =	sdelay $0x3  }
0x11f: {  	v3 =	vshll.u32 v3, $0x3  }
0x120: {  	[tilespmem:$0x1C8A0] =	vst v4;
	v3 =	vadd.s32 v1, v3  }
0x121: {  	[tilespmem:$0x1C820] =	vst v3  }
0x122: {  	v3 =	vld [tilespmem:s29+$0x1B830]  }
0x123: {  	v4 =	vld [tilespmem:s29+$0x1C030];
	_ =	sdelay $0x3  }
0x124: {  	v3 =	vshll.u32 v3, $0x3  }
0x125: {  	[tilespmem:$0x1C8B0] =	vst v4;
	v3 =	vadd.s32 v1, v3  }
0x126: {  	[tilespmem:$0x1C830] =	vst v3  }
0x127: {  	v3 =	vld [tilespmem:s29+$0x1B840]  }
0x128: {  	v4 =	vld [tilespmem:s29+$0x1C040];
	_ =	sdelay $0x3  }
0x129: {  	v3 =	vshll.u32 v3, $0x3  }
0x12a: {  	[tilespmem:$0x1C8C0] =	vst v4;
	v3 =	vadd.s32 v1, v3  }
0x12b: {  	[tilespmem:$0x1C840] =	vst v3  }
0x12c: {  	[tilespmem:s17], [sflag:$0x1] =	stream.indirect.gather [hbm4b:s4+s14], $0x80, s16, s14, $0xb8;
	[tilespmem:$0x1FA00] =	vst v63  }
0x12d: {  	v3 =	vld [tilespmem:s29+$0x1B800]  }
0x12e: {  	v4 =	vld [tilespmem:s29+$0x1C000];
	_ =	sdelay $0x6  }
0x12f: {  	v3 =	vld.idx.msk [tilespmem:v3+s6+$0x0], $0xffff  }
0x130: {  	v5 =	vld.idx.msk [tilespmem:v4+s7+$0x0], $0xffff;
	_ =	sdelay $0x4  }
0x131: {  	v3 =	vadd.f32 v5, v3;
	_ =	sdelay $0x1  }
0x132: {  	v5 =	vmul.f32 $2.000000030e-01, v3  }
0x133: {  	vm0 =	vgt.f32 v3, $0.0e+00  }
0x134: {  	v3 =	vsel vm0, v3, v5  }
0x135: {  	v3 =	vsub.f32 v3, v2;
	_ =	sdelay $0x1  }
0x136: {  	v3 =	vmul.f32 $1.442695020e+00, v3;
	_ =	sdelay $0x1  }
0x137: {  	(erf) = vpow2.f32 v3;
	_ =	sdelay $0x8  }
0x138: {  	v3 =	vpop (erf)  }
0x139: {  	[tilespmem:$0x1C900] =	vst v3  }
0x13a: {  	[tilespmem:v4+s18+$0x0] =	vst.idx.add.f32.msk $0xffff, v3  }
0x13b: {  	v3 =	vld [tilespmem:s29+$0x1B810]  }
0x13c: {  	v4 =	vld [tilespmem:s29+$0x1C010];
	_ =	sdelay $0x6  }
0x13d: {  	v3 =	vld.idx.msk [tilespmem:v3+s6+$0x0], $0xffff  }
0x13e: {  	v5 =	vld.idx.msk [tilespmem:v4+s7+$0x0], $0xffff;
	_ =	sdelay $0x4  }
0x13f: {  	v3 =	vadd.f32 v5, v3;
	_ =	sdelay $0x1  }
0x140: {  	v5 =	vmul.f32 $2.000000030e-01, v3  }
0x141: {  	vm12 =	vgt.f32 v3, $0.0e+00  }
0x142: {  	v3 =	vsel vm12, v3, v5  }
0x143: {  	v3 =	vsub.f32 v3, v2;
	_ =	sdelay $0x1  }
0x144: {  	v3 =	vmul.f32 $1.442695020e+00, v3;
	_ =	sdelay $0x1  }
0x145: {  	(erf) = vpow2.f32 v3;
	_ =	sdelay $0x8  }
0x146: {  	v3 =	vpop (erf)  }
0x147: {  	[tilespmem:$0x1C910] =	vst v3  }
0x148: {  	[tilespmem:v4+s18+$0x0] =	vst.idx.add.f32.msk $0xffff, v3  }
0x149: {  	v3 =	vld [tilespmem:s29+$0x1B820]  }
0x14a: {  	v4 =	vld [tilespmem:s29+$0x1C020];
	_ =	sdelay $0x6  }
0x14b: {  	v3 =	vld.idx.msk [tilespmem:v3+s6+$0x0], $0xffff  }
0x14c: {  	v5 =	vld.idx.msk [tilespmem:v4+s7+$0x0], $0xffff;
	_ =	sdelay $0x4  }
0x14d: {  	v3 =	vadd.f32 v5, v3;
	_ =	sdelay $0x1  }
0x14e: {  	v5 =	vmul.f32 $2.000000030e-01, v3  }
0x14f: {  	vm13 =	vgt.f32 v3, $0.0e+00  }
0x150: {  	v3 =	vsel vm13, v3, v5  }
0x151: {  	v3 =	vsub.f32 v3, v2;
	_ =	sdelay $0x1  }
0x152: {  	v3 =	vmul.f32 $1.442695020e+00, v3;
	_ =	sdelay $0x1  }
0x153: {  	(erf) = vpow2.f32 v3;
	_ =	sdelay $0x8  }
0x154: {  	v3 =	vpop (erf)  }
0x155: {  	[tilespmem:$0x1C920] =	vst v3  }
0x156: {  	[tilespmem:v4+s18+$0x0] =	vst.idx.add.f32.msk $0xffff, v3  }
0x157: {  	v3 =	vld [tilespmem:s29+$0x1B830]  }
0x158: {  	v4 =	vld [tilespmem:s29+$0x1C030];
	_ =	sdelay $0x6  }
0x159: {  	v3 =	vld.idx.msk [tilespmem:v3+s6+$0x0], $0xffff  }
0x15a: {  	v5 =	vld.idx.msk [tilespmem:v4+s7+$0x0], $0xffff;
	_ =	sdelay $0x4  }
0x15b: {  	v3 =	vadd.f32 v5, v3;
	_ =	sdelay $0x1  }
0x15c: {  	v5 =	vmul.f32 $2.000000030e-01, v3  }
0x15d: {  	vm14 =	vgt.f32 v3, $0.0e+00  }
0x15e: {  	v3 =	vsel vm14, v3, v5  }
0x15f: {  	v3 =	vsub.f32 v3, v2;
	_ =	sdelay $0x1  }
0x160: {  	v3 =	vmul.f32 $1.442695020e+00, v3;
	_ =	sdelay $0x1  }
0x161: {  	(erf) = vpow2.f32 v3;
	_ =	sdelay $0x8  }
0x162: {  	v3 =	vpop (erf)  }
0x163: {  	[tilespmem:$0x1C930] =	vst v3  }
0x164: {  	[tilespmem:v4+s18+$0x0] =	vst.idx.add.f32.msk $0xffff, v3  }
0x165: {  	v3 =	vld [tilespmem:s29+$0x1B840]  }
0x166: {  	v4 =	vld [tilespmem:s29+$0x1C040];
	_ =	sdelay $0x6  }
0x167: {  	v3 =	vld.idx.msk [tilespmem:v3+s6+$0x0], $0xffff  }
0x168: {  	v5 =	vld.idx.msk [tilespmem:v4+s7+$0x0], $0xffff;
	_ =	sdelay $0x4  }
0x169: {  	v3 =	vadd.f32 v5, v3;
	_ =	sdelay $0x1  }
0x16a: {  	v5 =	vmul.f32 $2.000000030e-01, v3  }
0x16b: {  	vm15 =	vgt.f32 v3, $0.0e+00  }
0x16c: {  	v3 =	vsel vm15, v3, v5  }
0x16d: {  	v3 =	vsub.f32 v3, v2;
	_ =	sdelay $0x1  }
0x16e: {  	v3 =	vmul.f32 $1.442695020e+00, v3;
	_ =	sdelay $0x1  }
0x16f: {  	(erf) = vpow2.f32 v3;
	_ =	sdelay $0x8  }
0x170: {  	v3 =	vpop (erf)  }
0x171: {  	[tilespmem:$0x1C940] =	vst v3  }
0x172: {  	[tilespmem:v4+s18+$0x0] =	vst.idx.add.f32.msk $0xffff, v3  }
0x173: {  	s29 =	simm.s32 $0x0;
	_ =	swait.ge [sflag:s19], $0x2800  }
0x174: {  	v3 =	vmov s29;
	[sflag:s19] =	ssyncset.done $0x0  }
0x175: {  	s29 =	simm.s32 $0x1C9C0;
	[sflag:s19] =	ssyncadd.s32 $0xFFFFD800  }
0x176: {  	v7 =	vld [tilespmem:s29+$0x30]  }
0x177: {  	v10 =	vld [tilespmem:s29+$0x10]  }
0x178: {  	v8 =	vld [tilespmem:s29+$0xFFFFFFC0]  }
0x179: {  	v4 =	vld.idx.msk [tilespmem:v3+s20+$0x0], $0xffff  }
0x17a: {  	v12 =	vld [tilespmem:s29+$0xFFFFFFE0]  }
0x17b: {  	v5 =	vld [tilespmem:s29+$0x20]  }
0x17c: {  	v6 =	vld [tilespmem:s29+$0xFFFFFFD0]  }
0x17d: {  	v3 =	vld [tilespmem:s29+$0xFFFFFFF0]  }
0x17e: {  	v11 =	vmul.f32 v7, v4;
	v7 =	vld [tilespmem:s29+$0x0]  }
0x17f: {  	v9 =	vmul.f32 v8, v4  }
0x180: {  	s30 =	simm.s32 $0x1;
	s31 =	simm.s32 $0x1C9C0;
	v8 =	vmul.f32 v12, v4;
	v10 =	vmul.f32 v10, v4  }
.LBB2_7:
0x181: {  	p0 =	sne.s32 s30, $0x4F  }
0x182: {  	v6 =	vmul.f32 v6, v4;
	v5 =	vmul.f32 v5, v4;
	[tilespmem:s29+$0x30] =	vst v11;
	s31 =	sadd.s32 $0x80, s31;
	s0 =	smov.u32 s30;
	s30 =	sadd.s32 $0x1, s30  }
0x183: {  	[tilespmem:s29+$0xFFFFFFC0] =	vst v9;
	v9 =	vmul.f32 v3, v4;
	v4 =	vmul.f32 v7, v4  }
0x184: {  	[tilespmem:s29+$0x10] =	vst v10  }
0x185: {  	v7 =	vmov s0;
	[tilespmem:s29+$0xFFFFFFE0] =	vst v8  }
0x186: {  	v3 =	vld [tilespmem:s31+$0xFFFFFFF0];
	[tilespmem:s29+$0xFFFFFFF0] =	vst v9  }
0x187: {  	v8 =	vld [tilespmem:s31+$0x30];
	[tilespmem:s29+$0x0] =	vst v4  }
0x188: {  	v10 =	vld [tilespmem:s31+$0x10];
	[tilespmem:s29+$0x20] =	vst v5  }
0x189: {  	v9 =	vld [tilespmem:s31+$0xFFFFFFC0];
	[tilespmem:s29+$0xFFFFFFD0] =	vst v6;
	s29 =	smov.u32 s31  }
0x18a: {  	v4 =	vld.idx.msk [tilespmem:v7+s20+$0x0], $0xffff  }
0x18b: {  	v12 =	vld [tilespmem:s31+$0xFFFFFFE0]  }
0x18c: {  	v5 =	vld [tilespmem:s31+$0x20]  }
.Ltmp1:
0x18d: {  	v6 =	vld [tilespmem:s31+$0xFFFFFFD0];
	(pc) =	sbr.rel @p0 .LBB2_7-.Ltmp1, $3  }
0x18e: {  	v7 =	vld [tilespmem:s31+$0x0];
	_ =	sdelay $0x1  }
0x18f: {  	v9 =	vmul.f32 v9, v4;
	v11 =	vmul.f32 v8, v4  }
0x190: {  	v10 =	vmul.f32 v10, v4;
	v8 =	vmul.f32 v12, v4  }
0x191: {  	[tilespmem:s29+$0x30] =	vst v11  }
0x192: {  	[tilespmem:s29+$0xFFFFFFC0] =	vst v9  }
0x193: {  	v3 =	vmul.f32 v3, v4;
	[tilespmem:s29+$0x10] =	vst v10  }
0x194: {  	v5 =	vmul.f32 v5, v4;
	[tilespmem:s29+$0xFFFFFFE0] =	vst v8  }
0x195: {  	v7 =	vmul.f32 v7, v4;
	[tilespmem:s29+$0xFFFFFFF0] =	vst v3  }
0x196: {  	s28 =	sadd.s32 $0x1, s28;
	v3 =	vmul.f32 v6, v4;
	[tilespmem:s29+$0x20] =	vst v5  }
0x197: {  	p0 =	sne.s32 s28, $0x19;
	[tilespmem:s29+$0x0] =	vst v7  }
.Ltmp2:
0x198: {  	[tilespmem:s29+$0xFFFFFFD0] =	vst v3;
	(pc) =	sbr.rel @p0 .LBB2_6-.Ltmp2, $4  }
0x199: {  	[spmem:s2] =	stream.indirect.scatter.add.f32 [tilespmem:s17], [sflag:$0x2], $0x80, s21, s14, $0xb8;
	[tilespmem:$0x1FA00] =	vst v63  }
0x19a: {  	_ =	swait.ge [sflag:s9], $0x2800  }
0x19b: {  	[sflag:s9] =	ssyncset.done $0x0  }
0x19c: {  	[sflag:s9] =	ssyncadd.s32 $0xFFFFD800  }
0x19d: {  	s26 =	sadd.s32 $0x1, s26  }
0x19e: {  	p0 =	sne.s32 s26, $0xA  }
.Ltmp3:
0x19f: {  	_ = 	snop;
	(pc) =	sbr.rel @p0 .LBB2_5-.Ltmp3, $1  }
0x1a0: {  	_ =	sdelay $0x3  }
0x1a1: {  	s0 =	smul.u32 $0x140000, s23;
	_ =	sdelay $0x1  }
0x1a2: {  	[bflag:$0x0] =	sbarrier.arrive $0xFFFF;
	s0 =	sadd.s32 s3, s0  }
0x1a3: {  	s28 =	stileid.u32;
	s24 =	rddreg [dreg:$0x8];
	s0 =	sshrl.u32 s0, $0x3  }
0x1a4: {  	s0 =	sadd.s32 s24, s0;
	s24 =	sshll.u32 s28, $0x6  }
0x1a5: {  	s26 =	sshrl.u32 s15, $0x3;
	s24 =	sor.u32 $0x1C02, s24  }
0x1a6: {  	[hbm:s0], [sflag:s24] =	dma.local [spmem:s26], $0x2800  }
0x1a7: {  	s29 =	smul.u32 $0x28000, s23;
	_ =	swait.ge [sflag:s9], $0x2800  }
0x1a8: {  	s22 =	sadd.s32 $0x1, s22;
	s30 =	rddreg [dreg:$0x12]  }
0x1a9: {  	p0 =	sne.s32 s22, $0x4;
	s0 =	sadd.s32 s30, s29  }
0x1aa: {  	[sflag:s9] =	ssyncset.done $0x0;
	s31 =	rddreg [dreg:$0x9];
	s0 =	sshrl.u32 s0, $0x3  }
.Ltmp4:
0x1ab: {  	[sflag:s9] =	ssyncadd.s32 $0xFFFFD800;
	s0 =	sadd.s32 s31, s0;
	(pc) =	sbr.rel @p0 .LBB2_2-.Ltmp4, $4  }
0x1ac: {  	[hbm4b:s0+s25] =	stream.strided.scatter [tilespmem:s18], [sflag:$0x2], $0x2800, s5, s25, $0x38;
	[tilespmem:$0x1FA00] =	vst v63  }
0x1ad: {  	_ =	swait.ge [sflag:s9], $0x2800  }
0x1ae: {  	[sflag:s9] =	ssyncset.done $0x0  }
0x1af: {  	[sflag:s9] =	ssyncadd.s32 $0xFFFFD800  }
0x1b0: {  	s22 =	sld [smem:$0x7E9];
	_ =	sdelay $0x2  }
0x1b1: {  	s0 =	rddreg [dreg:$0x14];
	s22 =	sadd.s32 $0x1, s22  }
0x1b2: {  	p0 =	sne.s32 s22, s0  }
.Ltmp5:
0x1b3: {  	_ = 	snop;
	(pc) =	sbr.rel @p0 .LBB2_1-.Ltmp5, $1  }
0x1b4: {  	_ =	sdelay $0x3  }
0x1b5: {  	_ =	sfence.sel $0x180000  }
0x1b6: {  	[bflag:$0x0] =	sbarrier.arrive $0xFFFF  }
0x1b7: {  	_ =	strace $0x90000047  }
0x1b8: {  	s0 =	stileid.u32;
	[bflag:$0x2] =	sbarrier.arrive $0xFFFF  }
0x1b9: {  	p0 =	sne.s32 s0, $0x0;
	s0 =	rddreg [dreg:$0x3]  }
0x1ba: {  	s0 =	sadd.s32 @!p0 $0x100000, s0  }
0x1bb: {  	[sflag:s0] =	ssyncadd.tile.s32 @!p0 $0x1;
	_ =	shalt  }
.Lfunc_end2:
_tile_overlayer_lowered:
.L_overlay_start_2:
0x1bc: {  	(tag) =	ssettag $0x2  }
0x1bd: {  	s0 =	rddreg [dreg:$0x0];
	s2 =	stileid.u32  }
0x1be: {  	s1 =	rddreg [dreg:$0x1];
	p0 =	sne.s32 s2, $0x0  }
0x1bf: {  	s3 =	rddreg [dreg:$0x2];
	[bflag:$0x3] =	sbarrier.arrive $0xFFFF;
	s2 =	simm.s32 @!p0 $0x1C02  }
0x1c0: {  	[timem:s3], [sflag:s2] =	dma.local @!p0 [hbm:s0], s1  }
0x1c1: {  	s0 =	simm.s32 @!p0 $0x2  }
0x1c2: {  	_ =	swait.ge @!p0 [sflag:s0], s1  }
0x1c3: {  	s1 =	ssub.s32 @!p0 $0x0, s1;
	[sflag:s0] =	ssyncset.done @!p0 $0x0  }
0x1c4: {  	[sflag:s0] =	ssyncadd.s32 @!p0 s1  }
0x1c5: {  	[bflag:$0x3] =	sbarrier.arrive $0xFFFF  }
0x1c6: {  	_ =	shalt  }

</sc_bundles>
